<compile_context>
chip_gen: v7x
topology: tpu7x:2x2x1
jax: 0.10.2.dev20260603
libtpu: 0.0.44.dev20260713+nightly
codegen_flags: <defaults>
</compile_context>

<pallas_src>
import functools

import numpy as np
import jax
import jax.numpy as jnp
from jax import lax
from jax.experimental import pallas as pl
from jax.experimental.pallas import tpu as pltpu
from jax.experimental.pallas import tpu_sc as plsc

_N = 8192
_NG = 8
_K = 20
_G = 8
_EMB = 1024
_OUT = 40
_F32 = jnp.float32

_TOPK_ROWS = 128
_EDGE_T = 256
_NW = 32
_BPW = (_N * _K) // _NW


def _wf_np():
    n = np.arange(4, dtype=np.float64)
    w = 0.5 * (1.0 - np.cos(2.0 * np.pi * n / 3.0))
    wf = np.zeros(8, dtype=np.float64)
    for j in range(3):
        wf[2 * j:2 * j + 4] += w
    return wf.astype(np.float32)


def _fold(c, wf):
    cw = c * jnp.asarray(wf)
    out = c.shape[1]
    wc = jnp.transpose(cw[0], (2, 1, 0)).reshape(-1, out)
    ws = jnp.transpose(cw[1], (2, 1, 0)).reshape(-1, out)
    return jnp.concatenate([wc, ws], axis=0)


def _feat(x):
    e = jnp.concatenate([x * float(g + 1) for g in range(_G)], axis=1)
    return jnp.concatenate([jnp.cos(e), jnp.sin(e)], axis=1)


def _rec_from(c1, s1):
    d = c1.shape[1]
    c1p = jnp.concatenate([c1, c1], axis=1)
    s1pm = jnp.concatenate([-s1, s1], axis=1)
    z = jnp.concatenate([c1, s1], axis=1)
    zs = [z]
    for _ in range(_G - 1):
        zswap = jnp.concatenate([z[:, d:], z[:, :d]], axis=1)
        z = z * c1p + zswap * s1pm
        zs.append(z)
    return jnp.concatenate(zs, axis=1)


def _feat_rec(x):
    return _rec_from(jnp.cos(x), jnp.sin(x))


def _perm_gcs(indim):
    rows = []
    for g in range(_G):
        rows.extend(range(g * indim, (g + 1) * indim))
        rows.extend(range(_G * indim + g * indim, _G * indim + (g + 1) * indim))
    return np.asarray(rows)


def _topk_kernel(posr_ref, posT_ref, bcol_ref, brow_ref, idx_ref, d_ref):
    acc = None
    for c in range(3):
        t = posr_ref[:, c:c + 1] - posT_ref[c:c + 1, :]
        sq = t * t
        acc = sq if acc is None else acc + sq
    mask = bcol_ref[:, :] != brow_ref[:, :]
    d_ref[:, :] = jnp.where(mask, jnp.float32(3.0e38), acc)
    iif = lax.broadcasted_iota(jnp.int32, (_TOPK_ROWS, _N), 1).astype(_F32)
    for k in range(_K):
        d = d_ref[:, :]
        dk = jnp.min(d, axis=1, keepdims=True)
        ikf = jnp.min(jnp.where(d == dk, iif, jnp.float32(3.4e38)),
                      axis=1, keepdims=True)
        idx_ref[:, k:k + 1] = ikf.astype(jnp.int32)
        d_ref[:, :] = jnp.where(iif == ikf, jnp.inf, d)


def _knn_topk(pos_pad8, posT8, batch_col, batch_row):
    grid = (_N // _TOPK_ROWS,)
    return pl.pallas_call(
        _topk_kernel,
        grid=grid,
        in_specs=[
            pl.BlockSpec((_TOPK_ROWS, 8), lambda t: (t, 0)),
            pl.BlockSpec((8, _N), lambda t: (0, 0)),
            pl.BlockSpec((_TOPK_ROWS, 1), lambda t: (t, 0)),
            pl.BlockSpec((1, _N), lambda t: (0, 0)),
        ],
        out_specs=pl.BlockSpec((_TOPK_ROWS, _K), lambda t: (t, 0)),
        out_shape=jax.ShapeDtypeStruct((_N, _K), jnp.int32),
        scratch_shapes=[pltpu.VMEM((_TOPK_ROWS, _N), _F32)],
    )(pos_pad8, posT8, batch_col, batch_row)


def _sc_gather(table16, idx_flat):
    mesh = plsc.VectorSubcoreMesh(core_axis_name="c", subcore_axis_name="s")

    @functools.partial(
        pl.kernel,
        mesh=mesh,
        compiler_params=pltpu.CompilerParams(use_tc_tiling_on_sc=False),
        out_type=jax.ShapeDtypeStruct((_K * _N, 16), _F32),
        scratch_types=[
            pltpu.VMEM((_BPW,), jnp.int32),
            pltpu.VMEM((_BPW, 16), _F32),
            pltpu.SemaphoreType.DMA,
        ],
    )
    def gk(table_hbm, idx_hbm, out_hbm, idx_v, rows_v, sem):
        wid = lax.axis_index("s") * 2 + lax.axis_index("c")
        base = wid * _BPW
        pltpu.sync_copy(idx_hbm.at[pl.ds(base, _BPW)], idx_v)
        pltpu.async_copy(table_hbm.at[idx_v], rows_v, sem).wait()
        pltpu.sync_copy(rows_v, out_hbm.at[pl.ds(base, _BPW)])

    return gk(table16, idx_flat)


def _edge_kernel(posj_ref, pos_ref, bcol_ref, wa_ref, ba_ref, wb_ref, bb_ref,
                 w1_ref, b1_ref, xmax_ref, xsum_ref, cnt_ref):
    t = pl.program_id(0)
    pi3 = pos_ref[:, 0:3]
    wa = wa_ref[:, :]
    ba = ba_ref[:, :]
    wb = wb_ref[:, :]
    bb = bb_ref[:, :]

    epi = jnp.concatenate([pi3 * float(g + 1) for g in range(_G)], axis=1)
    cpi, spi = jnp.cos(epi), jnp.sin(epi)

    def body(k2, acc):
        pj0 = jnp.reshape(posj_ref[pl.ds(2 * k2, 1), :, :], (_EDGE_T, 16))
        pj1 = jnp.reshape(posj_ref[pl.ds(2 * k2 + 1, 1), :, :], (_EDGE_T, 16))
        dj0 = pj0[:, 0:3] - pi3
        dj1 = pj1[:, 0:3] - pi3
        edj = jnp.concatenate(
            [dj0 * float(g + 1) for g in range(_G)]
            + [dj1 * float(g + 1) for g in range(_G)], axis=1)
        ce, se = jnp.cos(edj), jnp.sin(edj)
        fa = jnp.concatenate(
            [jnp.concatenate([cpi, ce[:, 24 * j:24 * (j + 1)], spi,
                              se[:, 24 * j:24 * (j + 1)]], axis=1)
             for j in range(2)], axis=0)
        ha = jnp.dot(fa, wa, preferred_element_type=_F32) + ba
        hal = jnp.concatenate([ha[:_EDGE_T], ha[_EDGE_T:]], axis=1)
        cl, sl = jnp.cos(hal), jnp.sin(hal)
        fb = jnp.concatenate(
            [_rec_from(cl[:, 64 * j:64 * (j + 1)],
                       sl[:, 64 * j:64 * (j + 1)]) for j in range(2)], axis=0)
        hb = jnp.dot(fb, wb, preferred_element_type=_F32) + bb
        return jnp.maximum(acc, jnp.maximum(hb[:_EDGE_T], hb[_EDGE_T:]))

    h = lax.fori_loop(0, _K // 2, body,
                      jnp.full((_EDGE_T, 128), -jnp.inf, _F32))
    x = (jnp.dot(_feat_rec(h), w1_ref[:, :], preferred_element_type=_F32)
         + b1_ref[:, :])

    @pl.when(t == 0)
    def _init():
        xmax_ref[:, :] = jnp.full_like(xmax_ref, -jnp.inf)
        xsum_ref[:, :] = jnp.zeros_like(xsum_ref)
        cnt_ref[:, :] = jnp.zeros_like(cnt_ref)

    bvals = bcol_ref[:, :]
    for g in range(_NG):
        m = bvals == g
        xg = jnp.max(jnp.where(m, x, -jnp.inf), axis=0, keepdims=True)
        sg = jnp.sum(jnp.where(m, x, 0.0), axis=0, keepdims=True)
        cg = jnp.sum(m.astype(_F32))
        xmax_ref[g:g + 1, :] = jnp.maximum(xmax_ref[g:g + 1, :], xg)
        xsum_ref[g:g + 1, :] = xsum_ref[g:g + 1, :] + sg
        cnt_ref[g:g + 1, :] = cnt_ref[g:g + 1, :] + cg


def _edge_call(posj3, pos_pad16, batch_col, WA, bA2, WB, bB2, W1, b12):
    grid = (_N // _EDGE_T,)
    return pl.pallas_call(
        _edge_kernel,
        grid=grid,
        in_specs=[
            pl.BlockSpec((_K, _EDGE_T, 16), lambda t: (0, t, 0)),
            pl.BlockSpec((_EDGE_T, 16), lambda t: (t, 0)),
            pl.BlockSpec((_EDGE_T, 1), lambda t: (t, 0)),
            pl.BlockSpec((96, 64), lambda t: (0, 0)),
            pl.BlockSpec((1, 64), lambda t: (0, 0)),
            pl.BlockSpec((1024, 128), lambda t: (0, 0)),
            pl.BlockSpec((1, 128), lambda t: (0, 0)),
            pl.BlockSpec((2048, _EMB), lambda t: (0, 0)),
            pl.BlockSpec((1, _EMB), lambda t: (0, 0)),
        ],
        out_specs=[
            pl.BlockSpec((_NG, _EMB), lambda t: (0, 0)),
            pl.BlockSpec((_NG, _EMB), lambda t: (0, 0)),
            pl.BlockSpec((_NG, 128), lambda t: (0, 0)),
        ],
        out_shape=[
            jax.ShapeDtypeStruct((_NG, _EMB), _F32),
            jax.ShapeDtypeStruct((_NG, _EMB), _F32),
            jax.ShapeDtypeStruct((_NG, 128), _F32),
        ],
    )(posj3, pos_pad16, batch_col, WA, bA2, WB, bB2, W1, b12)


def _head_kernel(xmax_ref, xsum_ref, cnt_ref, w2_ref, b2_ref, out_ref):
    cntv = cnt_ref[:, 0:1]
    xmean = xsum_ref[:, :] / jnp.maximum(cntv, 1.0)
    xcat = jnp.concatenate([xmax_ref[:, :], xmean], axis=1)
    out_ref[:, :] = (jnp.dot(_feat(xcat), w2_ref[:, :],
                             preferred_element_type=_F32) + b2_ref[:, :])


def _head_call(xmax, xsum, cnt, W2, b22):
    return pl.pallas_call(
        _head_kernel,
        out_shape=jax.ShapeDtypeStruct((_NG, _OUT), _F32),
    )(xmax, xsum, cnt, W2, b22)


def kernel(pos, batch, cA, bA, cB, bB, c1, b1, c2, b2):
    wf = _wf_np()
    WA = _fold(cA, wf)
    permA = np.concatenate([
        np.array([t * 48 + g * 6 + i for g in range(_G) for i in rng])
        for t, rng in ((0, range(3)), (0, range(3, 6)),
                       (1, range(3)), (1, range(3, 6)))])
    WA = WA[permA]
    WB = _fold(cB, wf)[_perm_gcs(64)]
    W1 = _fold(c1, wf)[_perm_gcs(128)]
    W2 = _fold(c2, wf)

    pos_pad8 = jnp.pad(pos, ((0, 0), (0, 5)))
    pos_pad16 = jnp.pad(pos, ((0, 0), (0, 13)))
    posT8 = pos_pad8.T
    batch_col = batch.reshape(_N, 1)
    batch_row = batch.reshape(1, _N)

    idx = _knn_topk(pos_pad8, posT8, batch_col, batch_row)
    idx_flat = idx.T.reshape(-1)
    posj = _sc_gather(pos_pad16, idx_flat)
    posj3 = posj.reshape(_K, _N, 16)

    xmax, xsum, cnt = _edge_call(
        posj3, pos_pad16, batch_col, WA, bA.reshape(1, -1), WB,
        bB.reshape(1, -1), W1, b1.reshape(1, -1))
    return _head_call(xmax, xsum, cnt, W2, b2.reshape(1, -1))

# --- scband reference (transcript-rebuilt; emitter-appended) ---
"""Pipeline reference for scband-stftfourier-kan-dgcnn-51092930953660 (READ-ONLY COPY).

The authoritative reference and input builder live on the scoring server;
editing this copy changes nothing except your own understanding.
"""

import jax, jax.numpy as jnp
import numpy as np

N_POINTS = 8192
N_GRAPHS = 8
K = 20
GRID, WSIZE, STRIDE, WTYPE = 8, 4, 2, "hann"
EMB = 1024
OUT = 40


def _freq_weights(gridsize, window_size, stride, window_type):
    n = np.arange(window_size, dtype=np.float64)
    denom = max(window_size - 1, 1)
    if window_type == "hann":
        w = 0.5 * (1.0 - np.cos(2.0 * np.pi * n / denom))
    elif window_type == "hamming":
        w = 0.54 - 0.46 * np.cos(2.0 * np.pi * n / denom)
    else:
        w = np.ones(window_size)
    wf = np.zeros(gridsize)
    n_windows = (gridsize - window_size) // stride + 1
    for j in range(n_windows):
        wf[j * stride:j * stride + window_size] += w
    return jnp.asarray(wf, jnp.float32)


def _kan_coeffs(key, indim, outdim, gridsize, smooth):
    if smooth:
        norm = np.arange(1, gridsize + 1, dtype=np.float32) ** 2
    else:
        norm = np.full(gridsize, np.sqrt(gridsize), dtype=np.float32)
    scale = jnp.asarray(1.0 / (np.sqrt(indim) * norm), jnp.float32)
    return jax.random.normal(key, (2, outdim, indim, gridsize), jnp.float32) * scale


def _kan_apply(x, coeffs, bias, wf):
    # STFT-Fourier KAN layer: y[n,o] = bias[o] + sum_g wf[g] * (cos(g*x) @ C0_g^T + sin(g*x) @ C1_g^T)
    y = jnp.zeros((x.shape[0], coeffs.shape[1]), x.dtype)
    for g in range(coeffs.shape[-1]):
        f = float(g + 1)
        y = y + wf[g] * (jnp.cos(f * x) @ coeffs[0, :, :, g].T
                         + jnp.sin(f * x) @ coeffs[1, :, :, g].T)
    return y + bias


def setup_inputs(seed: int = 0):
    key = jax.random.key(seed)
    ks = jax.random.split(key, 8)
    pos = jax.random.normal(ks[0], (N_POINTS, 3), jnp.float32)
    batch = jnp.sort(jax.random.randint(ks[1], (N_POINTS,), 0, N_GRAPHS, jnp.int32))
    return {
        "pos": pos,
        "batch": batch,
        "cA": _kan_coeffs(ks[2], 6, 64, GRID, True),
        "bA": jnp.zeros((64,), jnp.float32),
        "cB": _kan_coeffs(ks[3], 64, 128, GRID, True),
        "bB": jnp.zeros((128,), jnp.float32),
        "c1": _kan_coeffs(ks[4], 128, EMB, GRID, True),
        "b1": jnp.zeros((EMB,), jnp.float32),
        "c2": _kan_coeffs(ks[5], 2 * EMB, OUT, GRID, True),
        "b2": jnp.zeros((OUT,), jnp.float32),
    }


def reference(pos, batch, cA, bA, cB, bB, c1, b1, c2, b2):
    wf = _freq_weights(GRID, WSIZE, STRIDE, WTYPE)
    n = pos.shape[0]
    # DynamicEdgeConv: batched kNN graph on pos
    d = jnp.sum((pos[:, None, :] - pos[None, :, :]) ** 2, axis=-1)
    d = jnp.where(batch[:, None] != batch[None, :], jnp.inf, d)
    _, idx = jax.lax.top_k(-d, K)  # [N, K] neighbor indices (incl. self)
    pos_i = jnp.broadcast_to(pos[:, None, :], (n, K, 3))
    pos_j = pos[idx]
    e = jnp.concatenate([pos_i, pos_j - pos_i], axis=-1).reshape(n * K, 6)
    h = _kan_apply(e, cA, bA, wf)
    h = _kan_apply(h, cB, bB, wf)
    h = jnp.max(h.reshape(n, K, -1), axis=1)  # aggr='max'
    x = _kan_apply(h, c1, b1, wf)
    xmax = jax.ops.segment_max(x, batch, num_segments=N_GRAPHS)
    xsum = jax.ops.segment_sum(x, batch, num_segments=N_GRAPHS)
    cnt = jax.ops.segment_sum(jnp.ones((n, 1), x.dtype), batch, num_segments=N_GRAPHS)
    xmean = xsum / jnp.maximum(cnt, 1.0)
    xcat = jnp.concatenate([xmax, xmean], axis=1)
    return _kan_apply(xcat, c2, b2, wf)

if __name__ == "__main__":
    import jax
    _d = setup_inputs()
    print(jax.jit(kernel)(*tuple(_d.values())))

</pallas_src>

<mosaic_0001>
#map = affine_map<(d0, d1) -> (0, 0)>
#map1 = affine_map<(d0, d1) -> (0)>
module attributes {stable_mosaic.version = 14 : i64} {
  func.func @gk(%arg0: i32, %arg1: i32, %arg2: memref<8192x16xf32, #tpu.memory_space<hbm>>, %arg3: memref<163840xi32, #tpu.memory_space<hbm>>, %arg4: memref<163840x16xf32, #tpu.memory_space<hbm>>, %arg5: memref<5120xi32, #tpu.memory_space<vmem>>, %arg6: memref<5120x16xf32, #tpu.memory_space<vmem>>, %arg7: memref<!tpu.dma_semaphore, #tpu.memory_space<semaphore_mem>>) attributes {dimension_semantics = [#tpu.dimension_semantics<core_parallel>, #tpu.dimension_semantics<subcore_parallel>], iteration_bounds = array<i64: 2, 16>, scalar_prefetch = 0 : i64, scratch_operands = 3 : i64, tpu.core_type = #tpu.core_type<sc_vector_subcore>, window_params = [{transform_indices = #map}, {transform_indices = #map1}, {transform_indices = #map}]} {
    %mul3A = arith.constant 2 : i32
    %mul3A_0 = arith.muli %arg1, %mul3A : i32
    %add3A = arith.addi %mul3A_0, %arg0 : i32
    %mul3A_1 = arith.constant 5120 : i32
    %mul3A_2 = arith.muli %add3A, %mul3A_1 : i32
    "tpu.region"() ({
      %run_scoped3A = tpu.sem_alloc : memref<!tpu.dma_semaphore, #tpu.memory_space<semaphore_mem>>
      %dma_start3A_7 = tpu.memref_slice %arg3[%mul3A_2] : memref<163840xi32, #tpu.memory_space<hbm>> -> memref<5120xi32, #tpu.memory_space<hbm>>
      %dma_start3A_8 = tpu.memref_slice %arg3[%mul3A_2] : memref<163840xi32, #tpu.memory_space<hbm>> -> memref<5120xi32, #tpu.memory_space<hbm>>
      tpu.enqueue_dma source(%dma_start3A_8 : memref<5120xi32, #tpu.memory_space<hbm>>) target(%arg5 : memref<5120xi32, #tpu.memory_space<vmem>>) target_semaphore(%run_scoped3A : memref<!tpu.dma_semaphore, #tpu.memory_space<semaphore_mem>>)
      %dma_wait3A_9 = tpu.memref_slice %arg3[%mul3A_2] : memref<163840xi32, #tpu.memory_space<hbm>> -> memref<5120xi32, #tpu.memory_space<hbm>>
      %dma_wait3A_10 = tpu.memref_slice %arg3[%mul3A_2] : memref<163840xi32, #tpu.memory_space<hbm>> -> memref<5120xi32, #tpu.memory_space<hbm>>
      tpu.wait_dma2 semaphore(%run_scoped3A : memref<!tpu.dma_semaphore, #tpu.memory_space<semaphore_mem>>) src(%dma_wait3A_10 : memref<5120xi32, #tpu.memory_space<hbm>>) dst(%arg5 : memref<5120xi32, #tpu.memory_space<vmem>>)
      tpu.yield
    }) : () -> ()
    %dma_start3A = arith.constant 0 : i32
    %dma_start3A_3 = arith.constant 0 : i32
    %dma_start3A_4 = tpu.memref_slice %arg2[%dma_start3A, %dma_start3A_3] : memref<8192x16xf32, #tpu.memory_space<hbm>> -> memref<8192x16xf32, #tpu.memory_space<hbm>>
    tpu.enqueue_indirect_dma source(%dma_start3A_4 : memref<8192x16xf32, #tpu.memory_space<hbm>>) target(%arg6 : memref<5120x16xf32, #tpu.memory_space<vmem>>) offsets(%arg5 : memref<5120xi32, #tpu.memory_space<vmem>>) semaphore(%arg7 : memref<!tpu.dma_semaphore, #tpu.memory_space<semaphore_mem>>)
    %dma_wait3A = arith.constant 0 : i32
    %dma_wait3A_5 = arith.constant 0 : i32
    %dma_wait3A_6 = tpu.memref_slice %arg2[%dma_wait3A, %dma_wait3A_5] : memref<8192x16xf32, #tpu.memory_space<hbm>> -> memref<8192x16xf32, #tpu.memory_space<hbm>>
    tpu.wait_indirect_dma semaphore(%arg7 : memref<!tpu.dma_semaphore, #tpu.memory_space<semaphore_mem>>) src(%dma_wait3A_6 : memref<8192x16xf32, #tpu.memory_space<hbm>>) dst(%arg6 : memref<5120x16xf32, #tpu.memory_space<vmem>>)
    "tpu.region"() ({
      %run_scoped3A = tpu.sem_alloc : memref<!tpu.dma_semaphore, #tpu.memory_space<semaphore_mem>>
      %dma_start3A_7 = arith.constant 0 : i32
      %dma_start3A_8 = tpu.memref_slice %arg4[%mul3A_2, %dma_start3A_7] : memref<163840x16xf32, #tpu.memory_space<hbm>> -> memref<5120x16xf32, #tpu.memory_space<hbm>>
      %dma_start3A_9 = arith.constant 0 : i32
      %dma_start3A_10 = tpu.memref_slice %arg4[%mul3A_2, %dma_start3A_9] : memref<163840x16xf32, #tpu.memory_space<hbm>> -> memref<5120x16xf32, #tpu.memory_space<hbm>>
      tpu.enqueue_dma source(%arg6 : memref<5120x16xf32, #tpu.memory_space<vmem>>) target(%dma_start3A_10 : memref<5120x16xf32, #tpu.memory_space<hbm>>) target_semaphore(%run_scoped3A : memref<!tpu.dma_semaphore, #tpu.memory_space<semaphore_mem>>)
      %dma_wait3A_11 = arith.constant 0 : i32
      %dma_wait3A_12 = tpu.memref_slice %arg4[%mul3A_2, %dma_wait3A_11] : memref<163840x16xf32, #tpu.memory_space<hbm>> -> memref<5120x16xf32, #tpu.memory_space<hbm>>
      %dma_wait3A_13 = arith.constant 0 : i32
      %dma_wait3A_14 = tpu.memref_slice %arg4[%mul3A_2, %dma_wait3A_13] : memref<163840x16xf32, #tpu.memory_space<hbm>> -> memref<5120x16xf32, #tpu.memory_space<hbm>>
      tpu.wait_dma2 semaphore(%run_scoped3A : memref<!tpu.dma_semaphore, #tpu.memory_space<semaphore_mem>>) src(%arg6 : memref<5120x16xf32, #tpu.memory_space<vmem>>) dst(%dma_wait3A_14 : memref<5120x16xf32, #tpu.memory_space<hbm>>)
      tpu.yield
    }) : () -> ()
    return
  }
}

module attributes {stable_mosaic.version = 14 : i64} {
  func.func @_topk_kernel(%arg0: i32, %arg1: memref<128x8xf32, #tpu.memory_space<vmem>>, %arg2: memref<8x8192xf32, #tpu.memory_space<vmem>>, %arg3: memref<128x1xi32, #tpu.memory_space<vmem>>, %arg4: memref<1x8192xi32, #tpu.memory_space<vmem>>, %arg5: memref<128x20xi32, #tpu.memory_space<vmem>>, %arg6: memref<128x8192xf32, #tpu.memory_space<vmem>>) attributes {dimension_semantics = [#tpu.dimension_semantics<arbitrary>], iteration_bounds = array<i64: 64>, scalar_prefetch = 0 : i64, scratch_operands = 1 : i64, tpu.core_type = #tpu.core_type<tc>, window_params = [{transform_indices = @transform_0, window_bounds = array<i64: 128, 8>}, {pipeline_mode = #tpu.pipeline_mode<synchronous>, transform_indices = @transform_1, window_bounds = array<i64: 8, 8192>}, {transform_indices = @transform_2, window_bounds = array<i64: 128, 1>}, {pipeline_mode = #tpu.pipeline_mode<synchronous>, transform_indices = @transform_3, window_bounds = array<i64: 1, 8192>}, {transform_indices = @transform_4, window_bounds = array<i64: 128, 20>}]} {
    %get3A = arith.constant 0 : index
    %get3A_0 = arith.constant 0 : index
    %get3A_1 = vector.load %arg1[%get3A, %get3A_0] : memref<128x8xf32, #tpu.memory_space<vmem>>, vector<128x1xf32>
    %get3A_2 = arith.constant 0 : index
    %get3A_3 = arith.constant 0 : index
    %get3A_4 = vector.load %arg2[%get3A_2, %get3A_3] : memref<8x8192xf32, #tpu.memory_space<vmem>>, vector<1x8192xf32>
    %sub3A = vector.broadcast %get3A_1 : vector<128x1xf32> to vector<128x8192xf32>
    %sub3A_5 = vector.broadcast %get3A_4 : vector<1x8192xf32> to vector<128x8192xf32>
    %sub3A_6 = arith.subf %sub3A, %sub3A_5 : vector<128x8192xf32>
    %mul3A = arith.mulf %sub3A_6, %sub3A_6 : vector<128x8192xf32>
    %get3A_7 = arith.constant 0 : index
    %get3A_8 = arith.constant 1 : index
    %get3A_9 = vector.load %arg1[%get3A_7, %get3A_8] : memref<128x8xf32, #tpu.memory_space<vmem>>, vector<128x1xf32>
    %get3A_10 = arith.constant 1 : index
    %get3A_11 = arith.constant 0 : index
    %get3A_12 = vector.load %arg2[%get3A_10, %get3A_11] : memref<8x8192xf32, #tpu.memory_space<vmem>>, vector<1x8192xf32>
    %sub3A_13 = vector.broadcast %get3A_9 : vector<128x1xf32> to vector<128x8192xf32>
    %sub3A_14 = vector.broadcast %get3A_12 : vector<1x8192xf32> to vector<128x8192xf32>
    %sub3A_15 = arith.subf %sub3A_13, %sub3A_14 : vector<128x8192xf32>
    %mul3A_16 = arith.mulf %sub3A_15, %sub3A_15 : vector<128x8192xf32>
    %add3A = arith.addf %mul3A, %mul3A_16 : vector<128x8192xf32>
    %get3A_17 = arith.constant 0 : index
    %get3A_18 = arith.constant 2 : index
    %get3A_19 = vector.load %arg1[%get3A_17, %get3A_18] : memref<128x8xf32, #tpu.memory_space<vmem>>, vector<128x1xf32>
    %get3A_20 = arith.constant 2 : index
    %get3A_21 = arith.constant 0 : index
    %get3A_22 = vector.load %arg2[%get3A_20, %get3A_21] : memref<8x8192xf32, #tpu.memory_space<vmem>>, vector<1x8192xf32>
    %sub3A_23 = vector.broadcast %get3A_19 : vector<128x1xf32> to vector<128x8192xf32>
    %sub3A_24 = vector.broadcast %get3A_22 : vector<1x8192xf32> to vector<128x8192xf32>
    %sub3A_25 = arith.subf %sub3A_23, %sub3A_24 : vector<128x8192xf32>
    %mul3A_26 = arith.mulf %sub3A_25, %sub3A_25 : vector<128x8192xf32>
    %add3A_27 = arith.addf %add3A, %mul3A_26 : vector<128x8192xf32>
    %get3A_28 = arith.constant 0 : index
    %get3A_29 = arith.constant 0 : index
    %get3A_30 = vector.load %arg3[%get3A_28, %get3A_29] : memref<128x1xi32, #tpu.memory_space<vmem>>, vector<128x1xi32>
    %get3A_31 = arith.constant 0 : index
    %get3A_32 = arith.constant 0 : index
    %get3A_33 = vector.load %arg4[%get3A_31, %get3A_32] : memref<1x8192xi32, #tpu.memory_space<vmem>>, vector<1x8192xi32>
    %ne3A = vector.broadcast %get3A_30 : vector<128x1xi32> to vector<128x8192xi32>
    %ne3A_34 = vector.broadcast %get3A_33 : vector<1x8192xi32> to vector<128x8192xi32>
    %ne3A_35 = arith.cmpi ne, %ne3A, %ne3A_34 : vector<128x8192xi32>
    %jit3A = arith.constant 3.000000e+38 : f32
    %broadcast_in_dim3A = vector.broadcast %jit3A : f32 to vector<128x8192xf32>
    %select_n3A = arith.select %ne3A_35, %broadcast_in_dim3A, %add3A_27 : vector<128x8192xi1>, vector<128x8192xf32>
    %swap3A = arith.constant 0 : index
    %swap3A_36 = arith.constant 0 : index
    %swap3A_37 = vector.load %arg6[%swap3A, %swap3A_36] : memref<128x8192xf32, #tpu.memory_space<vmem>>, vector<128x8192xf32>
    tpu.vector_store %arg6[%swap3A, %swap3A_36], %select_n3A {strides = array<i32>} : memref<128x8192xf32, #tpu.memory_space<vmem>>, vector<128x8192xf32>,
    %iota3A = tpu.iota {dimensions = array<i32: 1>} : vector<128x8192xi32>
    %convert_element_type3A = arith.sitofp %iota3A : vector<128x8192xi32> to vector<128x8192xf32>
    %get3A_38 = arith.constant 0 : index
    %get3A_39 = arith.constant 0 : index
    %get3A_40 = vector.load %arg6[%get3A_38, %get3A_39] : memref<128x8192xf32, #tpu.memory_space<vmem>>, vector<128x8192xf32>
    %reduce_min3A = arith.constant dense<0x7F800000> : vector<128xf32>
    %reduce_min3A_41 = vector.multi_reduction <minimumf>, %get3A_40, %reduce_min3A [1] : vector<128x8192xf32> to vector<128xf32>
    %broadcast_in_dim3A_42 = vector.shape_cast %reduce_min3A_41 : vector<128xf32> to vector<128x1xf32>
    %eq3A = vector.broadcast %broadcast_in_dim3A_42 : vector<128x1xf32> to vector<128x8192xf32>
    %eq3A_43 = arith.cmpf oeq, %get3A_40, %eq3A : vector<128x8192xf32>
    %jit3A_44 = arith.constant 3.400000e+38 : f32
    %broadcast_in_dim3A_45 = vector.broadcast %jit3A_44 : f32 to vector<128x8192xf32>
    %select_n3A_46 = arith.select %eq3A_43, %convert_element_type3A, %broadcast_in_dim3A_45 : vector<128x8192xi1>, vector<128x8192xf32>
    %reduce_min3A_47 = arith.constant dense<0x7F800000> : vector<128xf32>
    %reduce_min3A_48 = vector.multi_reduction <minimumf>, %select_n3A_46, %reduce_min3A_47 [1] : vector<128x8192xf32> to vector<128xf32>
    %broadcast_in_dim3A_49 = vector.shape_cast %reduce_min3A_48 : vector<128xf32> to vector<128x1xf32>
    %convert_element_type3A_50 = arith.fptosi %broadcast_in_dim3A_49 : vector<128x1xf32> to vector<128x1xi32>
    %swap3A_51 = arith.constant 0 : index
    %swap3A_52 = arith.constant 0 : index
    %swap3A_53 = vector.load %arg5[%swap3A_51, %swap3A_52] : memref<128x20xi32, #tpu.memory_space<vmem>>, vector<128x1xi32>
    tpu.vector_store %arg5[%swap3A_51, %swap3A_52], %convert_element_type3A_50 {strides = array<i32>} : memref<128x20xi32, #tpu.memory_space<vmem>>, vector<128x1xi32>,
    %eq3A_54 = vector.broadcast %broadcast_in_dim3A_49 : vector<128x1xf32> to vector<128x8192xf32>
    %eq3A_55 = arith.cmpf oeq, %convert_element_type3A, %eq3A_54 : vector<128x8192xf32>
    %jit3A_56 = arith.constant 0x7F800000 : f32
    %broadcast_in_dim3A_57 = vector.broadcast %jit3A_56 : f32 to vector<128x8192xf32>
    %select_n3A_58 = arith.select %eq3A_55, %broadcast_in_dim3A_57, %get3A_40 : vector<128x8192xi1>, vector<128x8192xf32>
    %swap3A_59 = arith.constant 0 : index
    %swap3A_60 = arith.constant 0 : index
    %swap3A_61 = vector.load %arg6[%swap3A_59, %swap3A_60] : memref<128x8192xf32, #tpu.memory_space<vmem>>, vector<128x8192xf32>
    tpu.vector_store %arg6[%swap3A_59, %swap3A_60], %select_n3A_58 {strides = array<i32>} : memref<128x8192xf32, #tpu.memory_space<vmem>>, vector<128x8192xf32>,
    %get3A_62 = arith.constant 0 : index
    %get3A_63 = arith.constant 0 : index
    %get3A_64 = vector.load %arg6[%get3A_62, %get3A_63] : memref<128x8192xf32, #tpu.memory_space<vmem>>, vector<128x8192xf32>
    %reduce_min3A_65 = arith.constant dense<0x7F800000> : vector<128xf32>
    %reduce_min3A_66 = vector.multi_reduction <minimumf>, %get3A_64, %reduce_min3A_65 [1] : vector<128x8192xf32> to vector<128xf32>
    %broadcast_in_dim3A_67 = vector.shape_cast %reduce_min3A_66 : vector<128xf32> to vector<128x1xf32>
    %eq3A_68 = vector.broadcast %broadcast_in_dim3A_67 : vector<128x1xf32> to vector<128x8192xf32>
    %eq3A_69 = arith.cmpf oeq, %get3A_64, %eq3A_68 : vector<128x8192xf32>
    %jit3A_70 = arith.constant 3.400000e+38 : f32
    %broadcast_in_dim3A_71 = vector.broadcast %jit3A_70 : f32 to vector<128x8192xf32>
    %select_n3A_72 = arith.select %eq3A_69, %convert_element_type3A, %broadcast_in_dim3A_71 : vector<128x8192xi1>, vector<128x8192xf32>
    %reduce_min3A_73 = arith.constant dense<0x7F800000> : vector<128xf32>
    %reduce_min3A_74 = vector.multi_reduction <minimumf>, %select_n3A_72, %reduce_min3A_73 [1] : vector<128x8192xf32> to vector<128xf32>
    %broadcast_in_dim3A_75 = vector.shape_cast %reduce_min3A_74 : vector<128xf32> to vector<128x1xf32>
    %convert_element_type3A_76 = arith.fptosi %broadcast_in_dim3A_75 : vector<128x1xf32> to vector<128x1xi32>
    %swap3A_77 = arith.constant 0 : index
    %swap3A_78 = arith.constant 1 : index
    %swap3A_79 = vector.load %arg5[%swap3A_77, %swap3A_78] : memref<128x20xi32, #tpu.memory_space<vmem>>, vector<128x1xi32>
    tpu.vector_store %arg5[%swap3A_77, %swap3A_78], %convert_element_type3A_76 {strides = array<i32>} : memref<128x20xi32, #tpu.memory_space<vmem>>, vector<128x1xi32>,
    %eq3A_80 = vector.broadcast %broadcast_in_dim3A_75 : vector<128x1xf32> to vector<128x8192xf32>
    %eq3A_81 = arith.cmpf oeq, %convert_element_type3A, %eq3A_80 : vector<128x8192xf32>
    %jit3A_82 = arith.constant 0x7F800000 : f32
    %broadcast_in_dim3A_83 = vector.broadcast %jit3A_82 : f32 to vector<128x8192xf32>
    %select_n3A_84 = arith.select %eq3A_81, %broadcast_in_dim3A_83, %get3A_64 : vector<128x8192xi1>, vector<128x8192xf32>
    %swap3A_85 = arith.constant 0 : index
    %swap3A_86 = arith.constant 0 : index
    %swap3A_87 = vector.load %arg6[%swap3A_85, %swap3A_86] : memref<128x8192xf32, #tpu.memory_space<vmem>>, vector<128x8192xf32>
    tpu.vector_store %arg6[%swap3A_85, %swap3A_86], %select_n3A_84 {strides = array<i32>} : memref<128x8192xf32, #tpu.memory_space<vmem>>, vector<128x8192xf32>,
    %get3A_88 = arith.constant 0 : index
    %get3A_89 = arith.constant 0 : index
    %get3A_90 = vector.load %arg6[%get3A_88, %get3A_89] : memref<128x8192xf32, #tpu.memory_space<vmem>>, vector<128x8192xf32>
    %reduce_min3A_91 = arith.constant dense<0x7F800000> : vector<128xf32>
    %reduce_min3A_92 = vector.multi_reduction <minimumf>, %get3A_90, %reduce_min3A_91 [1] : vector<128x8192xf32> to vector<128xf32>
    %broadcast_in_dim3A_93 = vector.shape_cast %reduce_min3A_92 : vector<128xf32> to vector<128x1xf32>
    %eq3A_94 = vector.broadcast %broadcast_in_dim3A_93 : vector<128x1xf32> to vector<128x8192xf32>
    %eq3A_95 = arith.cmpf oeq, %get3A_90, %eq3A_94 : vector<128x8192xf32>
    %jit3A_96 = arith.constant 3.400000e+38 : f32
    %broadcast_in_dim3A_97 = vector.broadcast %jit3A_96 : f32 to vector<128x8192xf32>
    %select_n3A_98 = arith.select %eq3A_95, %convert_element_type3A, %broadcast_in_dim3A_97 : vector<128x8192xi1>, vector<128x8192xf32>
    %reduce_min3A_99 = arith.constant dense<0x7F800000> : vector<128xf32>
    %reduce_min3A_100 = vector.multi_reduction <minimumf>, %select_n3A_98, %reduce_min3A_99 [1] : vector<128x8192xf32> to vector<128xf32>
    %broadcast_in_dim3A_101 = vector.shape_cast %reduce_min3A_100 : vector<128xf32> to vector<128x1xf32>
    %convert_element_type3A_102 = arith.fptosi %broadcast_in_dim3A_101 : vector<128x1xf32> to vector<128x1xi32>
    %swap3A_103 = arith.constant 0 : index
    %swap3A_104 = arith.constant 2 : index
    %swap3A_105 = vector.load %arg5[%swap3A_103, %swap3A_104] : memref<128x20xi32, #tpu.memory_space<vmem>>, vector<128x1xi32>
    tpu.vector_store %arg5[%swap3A_103, %swap3A_104], %convert_element_type3A_102 {strides = array<i32>} : memref<128x20xi32, #tpu.memory_space<vmem>>, vector<128x1xi32>,
    %eq3A_106 = vector.broadcast %broadcast_in_dim3A_101 : vector<128x1xf32> to vector<128x8192xf32>
    %eq3A_107 = arith.cmpf oeq, %convert_element_type3A, %eq3A_106 : vector<128x8192xf32>
    %jit3A_108 = arith.constant 0x7F800000 : f32
    %broadcast_in_dim3A_109 = vector.broadcast %jit3A_108 : f32 to vector<128x8192xf32>
    %select_n3A_110 = arith.select %eq3A_107, %broadcast_in_dim3A_109, %get3A_90 : vector<128x8192xi1>, vector<128x8192xf32>
    %swap3A_111 = arith.constant 0 : index
    %swap3A_112 = arith.constant 0 : index
    %swap3A_113 = vector.load %arg6[%swap3A_111, %swap3A_112] : memref<128x8192xf32, #tpu.memory_space<vmem>>, vector<128x8192xf32>
    tpu.vector_store %arg6[%swap3A_111, %swap3A_112], %select_n3A_110 {strides = array<i32>} : memref<128x8192xf32, #tpu.memory_space<vmem>>, vector<128x8192xf32>,
    %get3A_114 = arith.constant 0 : index
    %get3A_115 = arith.constant 0 : index
    %get3A_116 = vector.load %arg6[%get3A_114, %get3A_115] : memref<128x8192xf32, #tpu.memory_space<vmem>>, vector<128x8192xf32>
    %reduce_min3A_117 = arith.constant dense<0x7F800000> : vector<128xf32>
    %reduce_min3A_118 = vector.multi_reduction <minimumf>, %get3A_116, %reduce_min3A_117 [1] : vector<128x8192xf32> to vector<128xf32>
    %broadcast_in_dim3A_119 = vector.shape_cast %reduce_min3A_118 : vector<128xf32> to vector<128x1xf32>
    %eq3A_120 = vector.broadcast %broadcast_in_dim3A_119 : vector<128x1xf32> to vector<128x8192xf32>
    %eq3A_121 = arith.cmpf oeq, %get3A_116, %eq3A_120 : vector<128x8192xf32>
    %jit3A_122 = arith.constant 3.400000e+38 : f32
    %broadcast_in_dim3A_123 = vector.broadcast %jit3A_122 : f32 to vector<128x8192xf32>
    %select_n3A_124 = arith.select %eq3A_121, %convert_element_type3A, %broadcast_in_dim3A_123 : vector<128x8192xi1>, vector<128x8192xf32>
    %reduce_min3A_125 = arith.constant dense<0x7F800000> : vector<128xf32>
    %reduce_min3A_126 = vector.multi_reduction <minimumf>, %select_n3A_124, %reduce_min3A_125 [1] : vector<128x8192xf32> to vector<128xf32>
    %broadcast_in_dim3A_127 = vector.shape_cast %reduce_min3A_126 : vector<128xf32> to vector<128x1xf32>
    %convert_element_type3A_128 = arith.fptosi %broadcast_in_dim3A_127 : vector<128x1xf32> to vector<128x1xi32>
    %swap3A_129 = arith.constant 0 : index
    %swap3A_130 = arith.constant 3 : index
    %swap3A_131 = vector.load %arg5[%swap3A_129, %swap3A_130] : memref<128x20xi32, #tpu.memory_space<vmem>>, vector<128x1xi32>
    tpu.vector_store %arg5[%swap3A_129, %swap3A_130], %convert_element_type3A_128 {strides = array<i32>} : memref<128x20xi32, #tpu.memory_space<vmem>>, vector<128x1xi32>,
    %eq3A_132 = vector.broadcast %broadcast_in_dim3A_127 : vector<128x1xf32> to vector<128x8192xf32>
    %eq3A_133 = arith.cmpf oeq, %convert_element_type3A, %eq3A_132 : vector<128x8192xf32>
    %jit3A_134 = arith.constant 0x7F800000 : f32
    %broadcast_in_dim3A_135 = vector.broadcast %jit3A_134 : f32 to vector<128x8192xf32>
    %select_n3A_136 = arith.select %eq3A_133, %broadcast_in_dim3A_135, %get3A_116 : vector<128x8192xi1>, vector<128x8192xf32>
    %swap3A_137 = arith.constant 0 : index
    %swap3A_138 = arith.constant 0 : index
    %swap3A_139 = vector.load %arg6[%swap3A_137, %swap3A_138] : memref<128x8192xf32, #tpu.memory_space<vmem>>, vector<128x8192xf32>
    tpu.vector_store %arg6[%swap3A_137, %swap3A_138], %select_n3A_136 {strides = array<i32>} : memref<128x8192xf32, #tpu.memory_space<vmem>>, vector<128x8192xf32>,
    %get3A_140 = arith.constant 0 : index
    %get3A_141 = arith.constant 0 : index
    %get3A_142 = vector.load %arg6[%get3A_140, %get3A_141] : memref<128x8192xf32, #tpu.memory_space<vmem>>, vector<128x8192xf32>
    %reduce_min3A_143 = arith.constant dense<0x7F800000> : vector<128xf32>
    %reduce_min3A_144 = vector.multi_reduction <minimumf>, %get3A_142, %reduce_min3A_143 [1] : vector<128x8192xf32> to vector<128xf32>
    %broadcast_in_dim3A_145 = vector.shape_cast %reduce_min3A_144 : vector<128xf32> to vector<128x1xf32>
    %eq3A_146 = vector.broadcast %broadcast_in_dim3A_145 : vector<128x1xf32> to vector<128x8192xf32>
    %eq3A_147 = arith.cmpf oeq, %get3A_142, %eq3A_146 : vector<128x8192xf32>
    %jit3A_148 = arith.constant 3.400000e+38 : f32
    %broadcast_in_dim3A_149 = vector.broadcast %jit3A_148 : f32 to vector<128x8192xf32>
    %select_n3A_150 = arith.select %eq3A_147, %convert_element_type3A, %broadcast_in_dim3A_149 : vector<128x8192xi1>, vector<128x8192xf32>
    %reduce_min3A_151 = arith.constant dense<0x7F800000> : vector<128xf32>
    %reduce_min3A_152 = vector.multi_reduction <minimumf>, %select_n3A_150, %reduce_min3A_151 [1] : vector<128x8192xf32> to vector<128xf32>
    %broadcast_in_dim3A_153 = vector.shape_cast %reduce_min3A_152 : vector<128xf32> to vector<128x1xf32>
    %convert_element_type3A_154 = arith.fptosi %broadcast_in_dim3A_153 : vector<128x1xf32> to vector<128x1xi32>
    %swap3A_155 = arith.constant 0 : index
    %swap3A_156 = arith.constant 4 : index
    %swap3A_157 = vector.load %arg5[%swap3A_155, %swap3A_156] : memref<128x20xi32, #tpu.memory_space<vmem>>, vector<128x1xi32>
    tpu.vector_store %arg5[%swap3A_155, %swap3A_156], %convert_element_type3A_154 {strides = array<i32>} : memref<128x20xi32, #tpu.memory_space<vmem>>, vector<128x1xi32>,
    %eq3A_158 = vector.broadcast %broadcast_in_dim3A_153 : vector<128x1xf32> to vector<128x8192xf32>
    %eq3A_159 = arith.cmpf oeq, %convert_element_type3A, %eq3A_158 : vector<128x8192xf32>
    %jit3A_160 = arith.constant 0x7F800000 : f32
    %broadcast_in_dim3A_161 = vector.broadcast %jit3A_160 : f32 to vector<128x8192xf32>
    %select_n3A_162 = arith.select %eq3A_159, %broadcast_in_dim3A_161, %get3A_142 : vector<128x8192xi1>, vector<128x8192xf32>
    %swap3A_163 = arith.constant 0 : index
    %swap3A_164 = arith.constant 0 : index
    %swap3A_165 = vector.load %arg6[%swap3A_163, %swap3A_164] : memref<128x8192xf32, #tpu.memory_space<vmem>>, vector<128x8192xf32>
    tpu.vector_store %arg6[%swap3A_163, %swap3A_164], %select_n3A_162 {strides = array<i32>} : memref<128x8192xf32, #tpu.memory_space<vmem>>, vector<128x8192xf32>,
    %get3A_166 = arith.constant 0 : index
    %get3A_167 = arith.constant 0 : index
    %get3A_168 = vector.load %arg6[%get3A_166, %get3A_167] : memref<128x8192xf32, #tpu.memory_space<vmem>>, vector<128x8192xf32>
    %reduce_min3A_169 = arith.constant dense<0x7F800000> : vector<128xf32>
    %reduce_min3A_170 = vector.multi_reduction <minimumf>, %get3A_168, %reduce_min3A_169 [1] : vector<128x8192xf32> to vector<128xf32>
    %broadcast_in_dim3A_171 = vector.shape_cast %reduce_min3A_170 : vector<128xf32> to vector<128x1xf32>
    %eq3A_172 = vector.broadcast %broadcast_in_dim3A_171 : vector<128x1xf32> to vector<128x8192xf32>
    %eq3A_173 = arith.cmpf oeq, %get3A_168, %eq3A_172 : vector<128x8192xf32>
    %jit3A_174 = arith.constant 3.400000e+38 : f32
    %broadcast_in_dim3A_175 = vector.broadcast %jit3A_174 : f32 to vector<128x8192xf32>
    %select_n3A_176 = arith.select %eq3A_173, %convert_element_type3A, %broadcast_in_dim3A_175 : vector<128x8192xi1>, vector<128x8192xf32>
    %reduce_min3A_177 = arith.constant dense<0x7F800000> : vector<128xf32>
    %reduce_min3A_178 = vector.multi_reduction <minimumf>, %select_n3A_176, %reduce_min3A_177 [1] : vector<128x8192xf32> to vector<128xf32>
    %broadcast_in_dim3A_179 = vector.shape_cast %reduce_min3A_178 : vector<128xf32> to vector<128x1xf32>
    %convert_element_type3A_180 = arith.fptosi %broadcast_in_dim3A_179 : vector<128x1xf32> to vector<128x1xi32>
    %swap3A_181 = arith.constant 0 : index
    %swap3A_182 = arith.constant 5 : index
    %swap3A_183 = vector.load %arg5[%swap3A_181, %swap3A_182] : memref<128x20xi32, #tpu.memory_space<vmem>>, vector<128x1xi32>
    tpu.vector_store %arg5[%swap3A_181, %swap3A_182], %convert_element_type3A_180 {strides = array<i32>} : memref<128x20xi32, #tpu.memory_space<vmem>>, vector<128x1xi32>,
    %eq3A_184 = vector.broadcast %broadcast_in_dim3A_179 : vector<128x1xf32> to vector<128x8192xf32>
    %eq3A_185 = arith.cmpf oeq, %convert_element_type3A, %eq3A_184 : vector<128x8192xf32>
    %jit3A_186 = arith.constant 0x7F800000 : f32
    %broadcast_in_dim3A_187 = vector.broadcast %jit3A_186 : f32 to vector<128x8192xf32>
    %select_n3A_188 = arith.select %eq3A_185, %broadcast_in_dim3A_187, %get3A_168 : vector<128x8192xi1>, vector<128x8192xf32>
    %swap3A_189 = arith.constant 0 : index
    %swap3A_190 = arith.constant 0 : index
    %swap3A_191 = vector.load %arg6[%swap3A_189, %swap3A_190] : memref<128x8192xf32, #tpu.memory_space<vmem>>, vector<128x8192xf32>
    tpu.vector_store %arg6[%swap3A_189, %swap3A_190], %select_n3A_188 {strides = array<i32>} : memref<128x8192xf32, #tpu.memory_space<vmem>>, vector<128x8192xf32>,
    %get3A_192 = arith.constant 0 : index
    %get3A_193 = arith.constant 0 : index
    %get3A_194 = vector.load %arg6[%get3A_192, %get3A_193] : memref<128x8192xf32, #tpu.memory_space<vmem>>, vector<128x8192xf32>
    %reduce_min3A_195 = arith.constant dense<0x7F800000> : vector<128xf32>
    %reduce_min3A_196 = vector.multi_reduction <minimumf>, %get3A_194, %reduce_min3A_195 [1] : vector<128x8192xf32> to vector<128xf32>
    %broadcast_in_dim3A_197 = vector.shape_cast %reduce_min3A_196 : vector<128xf32> to vector<128x1xf32>
    %eq3A_198 = vector.broadcast %broadcast_in_dim3A_197 : vector<128x1xf32> to vector<128x8192xf32>
    %eq3A_199 = arith.cmpf oeq, %get3A_194, %eq3A_198 : vector<128x8192xf32>
    %jit3A_200 = arith.constant 3.400000e+38 : f32
    %broadcast_in_dim3A_201 = vector.broadcast %jit3A_200 : f32 to vector<128x8192xf32>
    %select_n3A_202 = arith.select %eq3A_199, %convert_element_type3A, %broadcast_in_dim3A_201 : vector<128x8192xi1>, vector<128x8192xf32>
    %reduce_min3A_203 = arith.constant dense<0x7F800000> : vector<128xf32>
    %reduce_min3A_204 = vector.multi_reduction <minimumf>, %select_n3A_202, %reduce_min3A_203 [1] : vector<128x8192xf32> to vector<128xf32>
    %broadcast_in_dim3A_205 = vector.shape_cast %reduce_min3A_204 : vector<128xf32> to vector<128x1xf32>
    %convert_element_type3A_206 = arith.fptosi %broadcast_in_dim3A_205 : vector<128x1xf32> to vector<128x1xi32>
    %swap3A_207 = arith.constant 0 : index
    %swap3A_208 = arith.constant 6 : index
    %swap3A_209 = vector.load %arg5[%swap3A_207, %swap3A_208] : memref<128x20xi32, #tpu.memory_space<vmem>>, vector<128x1xi32>
    tpu.vector_store %arg5[%swap3A_207, %swap3A_208], %convert_element_type3A_206 {strides = array<i32>} : memref<128x20xi32, #tpu.memory_space<vmem>>, vector<128x1xi32>,
    %eq3A_210 = vector.broadcast %broadcast_in_dim3A_205 : vector<128x1xf32> to vector<128x8192xf32>
    %eq3A_211 = arith.cmpf oeq, %convert_element_type3A, %eq3A_210 : vector<128x8192xf32>
    %jit3A_212 = arith.constant 0x7F800000 : f32
    %broadcast_in_dim3A_213 = vector.broadcast %jit3A_212 : f32 to vector<128x8192xf32>
    %select_n3A_214 = arith.select %eq3A_211, %broadcast_in_dim3A_213, %get3A_194 : vector<128x8192xi1>, vector<128x8192xf32>
    %swap3A_215 = arith.constant 0 : index
    %swap3A_216 = arith.constant 0 : index
    %swap3A_217 = vector.load %arg6[%swap3A_215, %swap3A_216] : memref<128x8192xf32, #tpu.memory_space<vmem>>, vector<128x8192xf32>
    tpu.vector_store %arg6[%swap3A_215, %swap3A_216], %select_n3A_214 {strides = array<i32>} : memref<128x8192xf32, #tpu.memory_space<vmem>>, vector<128x8192xf32>,
    %get3A_218 = arith.constant 0 : index
    %get3A_219 = arith.constant 0 : index
    %get3A_220 = vector.load %arg6[%get3A_218, %get3A_219] : memref<128x8192xf32, #tpu.memory_space<vmem>>, vector<128x8192xf32>
    %reduce_min3A_221 = arith.constant dense<0x7F800000> : vector<128xf32>
    %reduce_min3A_222 = vector.multi_reduction <minimumf>, %get3A_220, %reduce_min3A_221 [1] : vector<128x8192xf32> to vector<128xf32>
    %broadcast_in_dim3A_223 = vector.shape_cast %reduce_min3A_222 : vector<128xf32> to vector<128x1xf32>
    %eq3A_224 = vector.broadcast %broadcast_in_dim3A_223 : vector<128x1xf32> to vector<128x8192xf32>
    %eq3A_225 = arith.cmpf oeq, %get3A_220, %eq3A_224 : vector<128x8192xf32>
    %jit3A_226 = arith.constant 3.400000e+38 : f32
    %broadcast_in_dim3A_227 = vector.broadcast %jit3A_226 : f32 to vector<128x8192xf32>
    %select_n3A_228 = arith.select %eq3A_225, %convert_element_type3A, %broadcast_in_dim3A_227 : vector<128x8192xi1>, vector<128x8192xf32>
    %reduce_min3A_229 = arith.constant dense<0x7F800000> : vector<128xf32>
    %reduce_min3A_230 = vector.multi_reduction <minimumf>, %select_n3A_228, %reduce_min3A_229 [1] : vector<128x8192xf32> to vector<128xf32>
    %broadcast_in_dim3A_231 = vector.shape_cast %reduce_min3A_230 : vector<128xf32> to vector<128x1xf32>
    %convert_element_type3A_232 = arith.fptosi %broadcast_in_dim3A_231 : vector<128x1xf32> to vector<128x1xi32>
    %swap3A_233 = arith.constant 0 : index
    %swap3A_234 = arith.constant 7 : index
    %swap3A_235 = vector.load %arg5[%swap3A_233, %swap3A_234] : memref<128x20xi32, #tpu.memory_space<vmem>>, vector<128x1xi32>
    tpu.vector_store %arg5[%swap3A_233, %swap3A_234], %convert_element_type3A_232 {strides = array<i32>} : memref<128x20xi32, #tpu.memory_space<vmem>>, vector<128x1xi32>,
    %eq3A_236 = vector.broadcast %broadcast_in_dim3A_231 : vector<128x1xf32> to vector<128x8192xf32>
    %eq3A_237 = arith.cmpf oeq, %convert_element_type3A, %eq3A_236 : vector<128x8192xf32>
    %jit3A_238 = arith.constant 0x7F800000 : f32
    %broadcast_in_dim3A_239 = vector.broadcast %jit3A_238 : f32 to vector<128x8192xf32>
    %select_n3A_240 = arith.select %eq3A_237, %broadcast_in_dim3A_239, %get3A_220 : vector<128x8192xi1>, vector<128x8192xf32>
    %swap3A_241 = arith.constant 0 : index
    %swap3A_242 = arith.constant 0 : index
    %swap3A_243 = vector.load %arg6[%swap3A_241, %swap3A_242] : memref<128x8192xf32, #tpu.memory_space<vmem>>, vector<128x8192xf32>
    tpu.vector_store %arg6[%swap3A_241, %swap3A_242], %select_n3A_240 {strides = array<i32>} : memref<128x8192xf32, #tpu.memory_space<vmem>>, vector<128x8192xf32>,
    %get3A_244 = arith.constant 0 : index
    %get3A_245 = arith.constant 0 : index
    %get3A_246 = vector.load %arg6[%get3A_244, %get3A_245] : memref<128x8192xf32, #tpu.memory_space<vmem>>, vector<128x8192xf32>
    %reduce_min3A_247 = arith.constant dense<0x7F800000> : vector<128xf32>
    %reduce_min3A_248 = vector.multi_reduction <minimumf>, %get3A_246, %reduce_min3A_247 [1] : vector<128x8192xf32> to vector<128xf32>
    %broadcast_in_dim3A_249 = vector.shape_cast %reduce_min3A_248 : vector<128xf32> to vector<128x1xf32>
    %eq3A_250 = vector.broadcast %broadcast_in_dim3A_249 : vector<128x1xf32> to vector<128x8192xf32>
    %eq3A_251 = arith.cmpf oeq, %get3A_246, %eq3A_250 : vector<128x8192xf32>
    %jit3A_252 = arith.constant 3.400000e+38 : f32
    %broadcast_in_dim3A_253 = vector.broadcast %jit3A_252 : f32 to vector<128x8192xf32>
    %select_n3A_254 = arith.select %eq3A_251, %convert_element_type3A, %broadcast_in_dim3A_253 : vector<128x8192xi1>, vector<128x8192xf32>
    %reduce_min3A_255 = arith.constant dense<0x7F800000> : vector<128xf32>
    %reduce_min3A_256 = vector.multi_reduction <minimumf>, %select_n3A_254, %reduce_min3A_255 [1] : vector<128x8192xf32> to vector<128xf32>
    %broadcast_in_dim3A_257 = vector.shape_cast %reduce_min3A_256 : vector<128xf32> to vector<128x1xf32>
    %convert_element_type3A_258 = arith.fptosi %broadcast_in_dim3A_257 : vector<128x1xf32> to vector<128x1xi32>
    %swap3A_259 = arith.constant 0 : index
    %swap3A_260 = arith.constant 8 : index
    %swap3A_261 = vector.load %arg5[%swap3A_259, %swap3A_260] : memref<128x20xi32, #tpu.memory_space<vmem>>, vector<128x1xi32>
    tpu.vector_store %arg5[%swap3A_259, %swap3A_260], %convert_element_type3A_258 {strides = array<i32>} : memref<128x20xi32, #tpu.memory_space<vmem>>, vector<128x1xi32>,
    %eq3A_262 = vector.broadcast %broadcast_in_dim3A_257 : vector<128x1xf32> to vector<128x8192xf32>
    %eq3A_263 = arith.cmpf oeq, %convert_element_type3A, %eq3A_262 : vector<128x8192xf32>
    %jit3A_264 = arith.constant 0x7F800000 : f32
    %broadcast_in_dim3A_265 = vector.broadcast %jit3A_264 : f32 to vector<128x8192xf32>
    %select_n3A_266 = arith.select %eq3A_263, %broadcast_in_dim3A_265, %get3A_246 : vector<128x8192xi1>, vector<128x8192xf32>
    %swap3A_267 = arith.constant 0 : index
    %swap3A_268 = arith.constant 0 : index
    %swap3A_269 = vector.load %arg6[%swap3A_267, %swap3A_268] : memref<128x8192xf32, #tpu.memory_space<vmem>>, vector<128x8192xf32>
    tpu.vector_store %arg6[%swap3A_267, %swap3A_268], %select_n3A_266 {strides = array<i32>} : memref<128x8192xf32, #tpu.memory_space<vmem>>, vector<128x8192xf32>,
    %get3A_270 = arith.constant 0 : index
    %get3A_271 = arith.constant 0 : index
    %get3A_272 = vector.load %arg6[%get3A_270, %get3A_271] : memref<128x8192xf32, #tpu.memory_space<vmem>>, vector<128x8192xf32>
    %reduce_min3A_273 = arith.constant dense<0x7F800000> : vector<128xf32>
    %reduce_min3A_274 = vector.multi_reduction <minimumf>, %get3A_272, %reduce_min3A_273 [1] : vector<128x8192xf32> to vector<128xf32>
    %broadcast_in_dim3A_275 = vector.shape_cast %reduce_min3A_274 : vector<128xf32> to vector<128x1xf32>
    %eq3A_276 = vector.broadcast %broadcast_in_dim3A_275 : vector<128x1xf32> to vector<128x8192xf32>
    %eq3A_277 = arith.cmpf oeq, %get3A_272, %eq3A_276 : vector<128x8192xf32>
    %jit3A_278 = arith.constant 3.400000e+38 : f32
    %broadcast_in_dim3A_279 = vector.broadcast %jit3A_278 : f32 to vector<128x8192xf32>
    %select_n3A_280 = arith.select %eq3A_277, %convert_element_type3A, %broadcast_in_dim3A_279 : vector<128x8192xi1>, vector<128x8192xf32>
    %reduce_min3A_281 = arith.constant dense<0x7F800000> : vector<128xf32>
    %reduce_min3A_282 = vector.multi_reduction <minimumf>, %select_n3A_280, %reduce_min3A_281 [1] : vector<128x8192xf32> to vector<128xf32>
    %broadcast_in_dim3A_283 = vector.shape_cast %reduce_min3A_282 : vector<128xf32> to vector<128x1xf32>
    %convert_element_type3A_284 = arith.fptosi %broadcast_in_dim3A_283 : vector<128x1xf32> to vector<128x1xi32>
    %swap3A_285 = arith.constant 0 : index
    %swap3A_286 = arith.constant 9 : index
    %swap3A_287 = vector.load %arg5[%swap3A_285, %swap3A_286] : memref<128x20xi32, #tpu.memory_space<vmem>>, vector<128x1xi32>
    tpu.vector_store %arg5[%swap3A_285, %swap3A_286], %convert_element_type3A_284 {strides = array<i32>} : memref<128x20xi32, #tpu.memory_space<vmem>>, vector<128x1xi32>,
    %eq3A_288 = vector.broadcast %broadcast_in_dim3A_283 : vector<128x1xf32> to vector<128x8192xf32>
    %eq3A_289 = arith.cmpf oeq, %convert_element_type3A, %eq3A_288 : vector<128x8192xf32>
    %jit3A_290 = arith.constant 0x7F800000 : f32
    %broadcast_in_dim3A_291 = vector.broadcast %jit3A_290 : f32 to vector<128x8192xf32>
    %select_n3A_292 = arith.select %eq3A_289, %broadcast_in_dim3A_291, %get3A_272 : vector<128x8192xi1>, vector<128x8192xf32>
    %swap3A_293 = arith.constant 0 : index
    %swap3A_294 = arith.constant 0 : index
    %swap3A_295 = vector.load %arg6[%swap3A_293, %swap3A_294] : memref<128x8192xf32, #tpu.memory_space<vmem>>, vector<128x8192xf32>
    tpu.vector_store %arg6[%swap3A_293, %swap3A_294], %select_n3A_292 {strides = array<i32>} : memref<128x8192xf32, #tpu.memory_space<vmem>>, vector<128x8192xf32>,
    %get3A_296 = arith.constant 0 : index
    %get3A_297 = arith.constant 0 : index
    %get3A_298 = vector.load %arg6[%get3A_296, %get3A_297] : memref<128x8192xf32, #tpu.memory_space<vmem>>, vector<128x8192xf32>
    %reduce_min3A_299 = arith.constant dense<0x7F800000> : vector<128xf32>
    %reduce_min3A_300 = vector.multi_reduction <minimumf>, %get3A_298, %reduce_min3A_299 [1] : vector<128x8192xf32> to vector<128xf32>
    %broadcast_in_dim3A_301 = vector.shape_cast %reduce_min3A_300 : vector<128xf32> to vector<128x1xf32>
    %eq3A_302 = vector.broadcast %broadcast_in_dim3A_301 : vector<128x1xf32> to vector<128x8192xf32>
    %eq3A_303 = arith.cmpf oeq, %get3A_298, %eq3A_302 : vector<128x8192xf32>
    %jit3A_304 = arith.constant 3.400000e+38 : f32
    %broadcast_in_dim3A_305 = vector.broadcast %jit3A_304 : f32 to vector<128x8192xf32>
    %select_n3A_306 = arith.select %eq3A_303, %convert_element_type3A, %broadcast_in_dim3A_305 : vector<128x8192xi1>, vector<128x8192xf32>
    %reduce_min3A_307 = arith.constant dense<0x7F800000> : vector<128xf32>
    %reduce_min3A_308 = vector.multi_reduction <minimumf>, %select_n3A_306, %reduce_min3A_307 [1] : vector<128x8192xf32> to vector<128xf32>
    %broadcast_in_dim3A_309 = vector.shape_cast %reduce_min3A_308 : vector<128xf32> to vector<128x1xf32>
    %convert_element_type3A_310 = arith.fptosi %broadcast_in_dim3A_309 : vector<128x1xf32> to vector<128x1xi32>
    %swap3A_311 = arith.constant 0 : index
    %swap3A_312 = arith.constant 10 : index
    %swap3A_313 = vector.load %arg5[%swap3A_311, %swap3A_312] : memref<128x20xi32, #tpu.memory_space<vmem>>, vector<128x1xi32>
    tpu.vector_store %arg5[%swap3A_311, %swap3A_312], %convert_element_type3A_310 {strides = array<i32>} : memref<128x20xi32, #tpu.memory_space<vmem>>, vector<128x1xi32>,
    %eq3A_314 = vector.broadcast %broadcast_in_dim3A_309 : vector<128x1xf32> to vector<128x8192xf32>
    %eq3A_315 = arith.cmpf oeq, %convert_element_type3A, %eq3A_314 : vector<128x8192xf32>
    %jit3A_316 = arith.constant 0x7F800000 : f32
    %broadcast_in_dim3A_317 = vector.broadcast %jit3A_316 : f32 to vector<128x8192xf32>
    %select_n3A_318 = arith.select %eq3A_315, %broadcast_in_dim3A_317, %get3A_298 : vector<128x8192xi1>, vector<128x8192xf32>
    %swap3A_319 = arith.constant 0 : index
    %swap3A_320 = arith.constant 0 : index
    %swap3A_321 = vector.load %arg6[%swap3A_319, %swap3A_320] : memref<128x8192xf32, #tpu.memory_space<vmem>>, vector<128x8192xf32>
    tpu.vector_store %arg6[%swap3A_319, %swap3A_320], %select_n3A_318 {strides = array<i32>} : memref<128x8192xf32, #tpu.memory_space<vmem>>, vector<128x8192xf32>,
    %get3A_322 = arith.constant 0 : index
    %get3A_323 = arith.constant 0 : index
    %get3A_324 = vector.load %arg6[%get3A_322, %get3A_323] : memref<128x8192xf32, #tpu.memory_space<vmem>>, vector<128x8192xf32>
    %reduce_min3A_325 = arith.constant dense<0x7F800000> : vector<128xf32>
    %reduce_min3A_326 = vector.multi_reduction <minimumf>, %get3A_324, %reduce_min3A_325 [1] : vector<128x8192xf32> to vector<128xf32>
    %broadcast_in_dim3A_327 = vector.shape_cast %reduce_min3A_326 : vector<128xf32> to vector<128x1xf32>
    %eq3A_328 = vector.broadcast %broadcast_in_dim3A_327 : vector<128x1xf32> to vector<128x8192xf32>
    %eq3A_329 = arith.cmpf oeq, %get3A_324, %eq3A_328 : vector<128x8192xf32>
    %jit3A_330 = arith.constant 3.400000e+38 : f32
    %broadcast_in_dim3A_331 = vector.broadcast %jit3A_330 : f32 to vector<128x8192xf32>
    %select_n3A_332 = arith.select %eq3A_329, %convert_element_type3A, %broadcast_in_dim3A_331 : vector<128x8192xi1>, vector<128x8192xf32>
    %reduce_min3A_333 = arith.constant dense<0x7F800000> : vector<128xf32>
    %reduce_min3A_334 = vector.multi_reduction <minimumf>, %select_n3A_332, %reduce_min3A_333 [1] : vector<128x8192xf32> to vector<128xf32>
    %broadcast_in_dim3A_335 = vector.shape_cast %reduce_min3A_334 : vector<128xf32> to vector<128x1xf32>
    %convert_element_type3A_336 = arith.fptosi %broadcast_in_dim3A_335 : vector<128x1xf32> to vector<128x1xi32>
    %swap3A_337 = arith.constant 0 : index
    %swap3A_338 = arith.constant 11 : index
    %swap3A_339 = vector.load %arg5[%swap3A_337, %swap3A_338] : memref<128x20xi32, #tpu.memory_space<vmem>>, vector<128x1xi32>
    tpu.vector_store %arg5[%swap3A_337, %swap3A_338], %convert_element_type3A_336 {strides = array<i32>} : memref<128x20xi32, #tpu.memory_space<vmem>>, vector<128x1xi32>,
    %eq3A_340 = vector.broadcast %broadcast_in_dim3A_335 : vector<128x1xf32> to vector<128x8192xf32>
    %eq3A_341 = arith.cmpf oeq, %convert_element_type3A, %eq3A_340 : vector<128x8192xf32>
    %jit3A_342 = arith.constant 0x7F800000 : f32
    %broadcast_in_dim3A_343 = vector.broadcast %jit3A_342 : f32 to vector<128x8192xf32>
    %select_n3A_344 = arith.select %eq3A_341, %broadcast_in_dim3A_343, %get3A_324 : vector<128x8192xi1>, vector<128x8192xf32>
    %swap3A_345 = arith.constant 0 : index
    %swap3A_346 = arith.constant 0 : index
    %swap3A_347 = vector.load %arg6[%swap3A_345, %swap3A_346] : memref<128x8192xf32, #tpu.memory_space<vmem>>, vector<128x8192xf32>
    tpu.vector_store %arg6[%swap3A_345, %swap3A_346], %select_n3A_344 {strides = array<i32>} : memref<128x8192xf32, #tpu.memory_space<vmem>>, vector<128x8192xf32>,
    %get3A_348 = arith.constant 0 : index
    %get3A_349 = arith.constant 0 : index
    %get3A_350 = vector.load %arg6[%get3A_348, %get3A_349] : memref<128x8192xf32, #tpu.memory_space<vmem>>, vector<128x8192xf32>
    %reduce_min3A_351 = arith.constant dense<0x7F800000> : vector<128xf32>
    %reduce_min3A_352 = vector.multi_reduction <minimumf>, %get3A_350, %reduce_min3A_351 [1] : vector<128x8192xf32> to vector<128xf32>
    %broadcast_in_dim3A_353 = vector.shape_cast %reduce_min3A_352 : vector<128xf32> to vector<128x1xf32>
    %eq3A_354 = vector.broadcast %broadcast_in_dim3A_353 : vector<128x1xf32> to vector<128x8192xf32>
    %eq3A_355 = arith.cmpf oeq, %get3A_350, %eq3A_354 : vector<128x8192xf32>
    %jit3A_356 = arith.constant 3.400000e+38 : f32
    %broadcast_in_dim3A_357 = vector.broadcast %jit3A_356 : f32 to vector<128x8192xf32>
    %select_n3A_358 = arith.select %eq3A_355, %convert_element_type3A, %broadcast_in_dim3A_357 : vector<128x8192xi1>, vector<128x8192xf32>
    %reduce_min3A_359 = arith.constant dense<0x7F800000> : vector<128xf32>
    %reduce_min3A_360 = vector.multi_reduction <minimumf>, %select_n3A_358, %reduce_min3A_359 [1] : vector<128x8192xf32> to vector<128xf32>
    %broadcast_in_dim3A_361 = vector.shape_cast %reduce_min3A_360 : vector<128xf32> to vector<128x1xf32>
    %convert_element_type3A_362 = arith.fptosi %broadcast_in_dim3A_361 : vector<128x1xf32> to vector<128x1xi32>
    %swap3A_363 = arith.constant 0 : index
    %swap3A_364 = arith.constant 12 : index
    %swap3A_365 = vector.load %arg5[%swap3A_363, %swap3A_364] : memref<128x20xi32, #tpu.memory_space<vmem>>, vector<128x1xi32>
    tpu.vector_store %arg5[%swap3A_363, %swap3A_364], %convert_element_type3A_362 {strides = array<i32>} : memref<128x20xi32, #tpu.memory_space<vmem>>, vector<128x1xi32>,
    %eq3A_366 = vector.broadcast %broadcast_in_dim3A_361 : vector<128x1xf32> to vector<128x8192xf32>
    %eq3A_367 = arith.cmpf oeq, %convert_element_type3A, %eq3A_366 : vector<128x8192xf32>
    %jit3A_368 = arith.constant 0x7F800000 : f32
    %broadcast_in_dim3A_369 = vector.broadcast %jit3A_368 : f32 to vector<128x8192xf32>
    %select_n3A_370 = arith.select %eq3A_367, %broadcast_in_dim3A_369, %get3A_350 : vector<128x8192xi1>, vector<128x8192xf32>
    %swap3A_371 = arith.constant 0 : index
    %swap3A_372 = arith.constant 0 : index
    %swap3A_373 = vector.load %arg6[%swap3A_371, %swap3A_372] : memref<128x8192xf32, #tpu.memory_space<vmem>>, vector<128x8192xf32>
    tpu.vector_store %arg6[%swap3A_371, %swap3A_372], %select_n3A_370 {strides = array<i32>} : memref<128x8192xf32, #tpu.memory_space<vmem>>, vector<128x8192xf32>,
    %get3A_374 = arith.constant 0 : index
    %get3A_375 = arith.constant 0 : index
    %get3A_376 = vector.load %arg6[%get3A_374, %get3A_375] : memref<128x8192xf32, #tpu.memory_space<vmem>>, vector<128x8192xf32>
    %reduce_min3A_377 = arith.constant dense<0x7F800000> : vector<128xf32>
    %reduce_min3A_378 = vector.multi_reduction <minimumf>, %get3A_376, %reduce_min3A_377 [1] : vector<128x8192xf32> to vector<128xf32>
    %broadcast_in_dim3A_379 = vector.shape_cast %reduce_min3A_378 : vector<128xf32> to vector<128x1xf32>
    %eq3A_380 = vector.broadcast %broadcast_in_dim3A_379 : vector<128x1xf32> to vector<128x8192xf32>
    %eq3A_381 = arith.cmpf oeq, %get3A_376, %eq3A_380 : vector<128x8192xf32>
    %jit3A_382 = arith.constant 3.400000e+38 : f32
    %broadcast_in_dim3A_383 = vector.broadcast %jit3A_382 : f32 to vector<128x8192xf32>
    %select_n3A_384 = arith.select %eq3A_381, %convert_element_type3A, %broadcast_in_dim3A_383 : vector<128x8192xi1>, vector<128x8192xf32>
    %reduce_min3A_385 = arith.constant dense<0x7F800000> : vector<128xf32>
    %reduce_min3A_386 = vector.multi_reduction <minimumf>, %select_n3A_384, %reduce_min3A_385 [1] : vector<128x8192xf32> to vector<128xf32>
    %broadcast_in_dim3A_387 = vector.shape_cast %reduce_min3A_386 : vector<128xf32> to vector<128x1xf32>
    %convert_element_type3A_388 = arith.fptosi %broadcast_in_dim3A_387 : vector<128x1xf32> to vector<128x1xi32>
    %swap3A_389 = arith.constant 0 : index
    %swap3A_390 = arith.constant 13 : index
    %swap3A_391 = vector.load %arg5[%swap3A_389, %swap3A_390] : memref<128x20xi32, #tpu.memory_space<vmem>>, vector<128x1xi32>
    tpu.vector_store %arg5[%swap3A_389, %swap3A_390], %convert_element_type3A_388 {strides = array<i32>} : memref<128x20xi32, #tpu.memory_space<vmem>>, vector<128x1xi32>,
    %eq3A_392 = vector.broadcast %broadcast_in_dim3A_387 : vector<128x1xf32> to vector<128x8192xf32>
    %eq3A_393 = arith.cmpf oeq, %convert_element_type3A, %eq3A_392 : vector<128x8192xf32>
    %jit3A_394 = arith.constant 0x7F800000 : f32
    %broadcast_in_dim3A_395 = vector.broadcast %jit3A_394 : f32 to vector<128x8192xf32>
    %select_n3A_396 = arith.select %eq3A_393, %broadcast_in_dim3A_395, %get3A_376 : vector<128x8192xi1>, vector<128x8192xf32>
    %swap3A_397 = arith.constant 0 : index
    %swap3A_398 = arith.constant 0 : index
    %swap3A_399 = vector.load %arg6[%swap3A_397, %swap3A_398] : memref<128x8192xf32, #tpu.memory_space<vmem>>, vector<128x8192xf32>
    tpu.vector_store %arg6[%swap3A_397, %swap3A_398], %select_n3A_396 {strides = array<i32>} : memref<128x8192xf32, #tpu.memory_space<vmem>>, vector<128x8192xf32>,
    %get3A_400 = arith.constant 0 : index
    %get3A_401 = arith.constant 0 : index
    %get3A_402 = vector.load %arg6[%get3A_400, %get3A_401] : memref<128x8192xf32, #tpu.memory_space<vmem>>, vector<128x8192xf32>
    %reduce_min3A_403 = arith.constant dense<0x7F800000> : vector<128xf32>
    %reduce_min3A_404 = vector.multi_reduction <minimumf>, %get3A_402, %reduce_min3A_403 [1] : vector<128x8192xf32> to vector<128xf32>
    %broadcast_in_dim3A_405 = vector.shape_cast %reduce_min3A_404 : vector<128xf32> to vector<128x1xf32>
    %eq3A_406 = vector.broadcast %broadcast_in_dim3A_405 : vector<128x1xf32> to vector<128x8192xf32>
    %eq3A_407 = arith.cmpf oeq, %get3A_402, %eq3A_406 : vector<128x8192xf32>
    %jit3A_408 = arith.constant 3.400000e+38 : f32
    %broadcast_in_dim3A_409 = vector.broadcast %jit3A_408 : f32 to vector<128x8192xf32>
    %select_n3A_410 = arith.select %eq3A_407, %convert_element_type3A, %broadcast_in_dim3A_409 : vector<128x8192xi1>, vector<128x8192xf32>
    %reduce_min3A_411 = arith.constant dense<0x7F800000> : vector<128xf32>
    %reduce_min3A_412 = vector.multi_reduction <minimumf>, %select_n3A_410, %reduce_min3A_411 [1] : vector<128x8192xf32> to vector<128xf32>
    %broadcast_in_dim3A_413 = vector.shape_cast %reduce_min3A_412 : vector<128xf32> to vector<128x1xf32>
    %convert_element_type3A_414 = arith.fptosi %broadcast_in_dim3A_413 : vector<128x1xf32> to vector<128x1xi32>
    %swap3A_415 = arith.constant 0 : index
    %swap3A_416 = arith.constant 14 : index
    %swap3A_417 = vector.load %arg5[%swap3A_415, %swap3A_416] : memref<128x20xi32, #tpu.memory_space<vmem>>, vector<128x1xi32>
    tpu.vector_store %arg5[%swap3A_415, %swap3A_416], %convert_element_type3A_414 {strides = array<i32>} : memref<128x20xi32, #tpu.memory_space<vmem>>, vector<128x1xi32>,
    %eq3A_418 = vector.broadcast %broadcast_in_dim3A_413 : vector<128x1xf32> to vector<128x8192xf32>
    %eq3A_419 = arith.cmpf oeq, %convert_element_type3A, %eq3A_418 : vector<128x8192xf32>
    %jit3A_420 = arith.constant 0x7F800000 : f32
    %broadcast_in_dim3A_421 = vector.broadcast %jit3A_420 : f32 to vector<128x8192xf32>
    %select_n3A_422 = arith.select %eq3A_419, %broadcast_in_dim3A_421, %get3A_402 : vector<128x8192xi1>, vector<128x8192xf32>
    %swap3A_423 = arith.constant 0 : index
    %swap3A_424 = arith.constant 0 : index
    %swap3A_425 = vector.load %arg6[%swap3A_423, %swap3A_424] : memref<128x8192xf32, #tpu.memory_space<vmem>>, vector<128x8192xf32>
    tpu.vector_store %arg6[%swap3A_423, %swap3A_424], %select_n3A_422 {strides = array<i32>} : memref<128x8192xf32, #tpu.memory_space<vmem>>, vector<128x8192xf32>,
    %get3A_426 = arith.constant 0 : index
    %get3A_427 = arith.constant 0 : index
    %get3A_428 = vector.load %arg6[%get3A_426, %get3A_427] : memref<128x8192xf32, #tpu.memory_space<vmem>>, vector<128x8192xf32>
    %reduce_min3A_429 = arith.constant dense<0x7F800000> : vector<128xf32>
    %reduce_min3A_430 = vector.multi_reduction <minimumf>, %get3A_428, %reduce_min3A_429 [1] : vector<128x8192xf32> to vector<128xf32>
    %broadcast_in_dim3A_431 = vector.shape_cast %reduce_min3A_430 : vector<128xf32> to vector<128x1xf32>
    %eq3A_432 = vector.broadcast %broadcast_in_dim3A_431 : vector<128x1xf32> to vector<128x8192xf32>
    %eq3A_433 = arith.cmpf oeq, %get3A_428, %eq3A_432 : vector<128x8192xf32>
    %jit3A_434 = arith.constant 3.400000e+38 : f32
    %broadcast_in_dim3A_435 = vector.broadcast %jit3A_434 : f32 to vector<128x8192xf32>
    %select_n3A_436 = arith.select %eq3A_433, %convert_element_type3A, %broadcast_in_dim3A_435 : vector<128x8192xi1>, vector<128x8192xf32>
    %reduce_min3A_437 = arith.constant dense<0x7F800000> : vector<128xf32>
    %reduce_min3A_438 = vector.multi_reduction <minimumf>, %select_n3A_436, %reduce_min3A_437 [1] : vector<128x8192xf32> to vector<128xf32>
    %broadcast_in_dim3A_439 = vector.shape_cast %reduce_min3A_438 : vector<128xf32> to vector<128x1xf32>
    %convert_element_type3A_440 = arith.fptosi %broadcast_in_dim3A_439 : vector<128x1xf32> to vector<128x1xi32>
    %swap3A_441 = arith.constant 0 : index
    %swap3A_442 = arith.constant 15 : index
    %swap3A_443 = vector.load %arg5[%swap3A_441, %swap3A_442] : memref<128x20xi32, #tpu.memory_space<vmem>>, vector<128x1xi32>
    tpu.vector_store %arg5[%swap3A_441, %swap3A_442], %convert_element_type3A_440 {strides = array<i32>} : memref<128x20xi32, #tpu.memory_space<vmem>>, vector<128x1xi32>,
    %eq3A_444 = vector.broadcast %broadcast_in_dim3A_439 : vector<128x1xf32> to vector<128x8192xf32>
    %eq3A_445 = arith.cmpf oeq, %convert_element_type3A, %eq3A_444 : vector<128x8192xf32>
    %jit3A_446 = arith.constant 0x7F800000 : f32
    %broadcast_in_dim3A_447 = vector.broadcast %jit3A_446 : f32 to vector<128x8192xf32>
    %select_n3A_448 = arith.select %eq3A_445, %broadcast_in_dim3A_447, %get3A_428 : vector<128x8192xi1>, vector<128x8192xf32>
    %swap3A_449 = arith.constant 0 : index
    %swap3A_450 = arith.constant 0 : index
    %swap3A_451 = vector.load %arg6[%swap3A_449, %swap3A_450] : memref<128x8192xf32, #tpu.memory_space<vmem>>, vector<128x8192xf32>
    tpu.vector_store %arg6[%swap3A_449, %swap3A_450], %select_n3A_448 {strides = array<i32>} : memref<128x8192xf32, #tpu.memory_space<vmem>>, vector<128x8192xf32>,
    %get3A_452 = arith.constant 0 : index
    %get3A_453 = arith.constant 0 : index
    %get3A_454 = vector.load %arg6[%get3A_452, %get3A_453] : memref<128x8192xf32, #tpu.memory_space<vmem>>, vector<128x8192xf32>
    %reduce_min3A_455 = arith.constant dense<0x7F800000> : vector<128xf32>
    %reduce_min3A_456 = vector.multi_reduction <minimumf>, %get3A_454, %reduce_min3A_455 [1] : vector<128x8192xf32> to vector<128xf32>
    %broadcast_in_dim3A_457 = vector.shape_cast %reduce_min3A_456 : vector<128xf32> to vector<128x1xf32>
    %eq3A_458 = vector.broadcast %broadcast_in_dim3A_457 : vector<128x1xf32> to vector<128x8192xf32>
    %eq3A_459 = arith.cmpf oeq, %get3A_454, %eq3A_458 : vector<128x8192xf32>
    %jit3A_460 = arith.constant 3.400000e+38 : f32
    %broadcast_in_dim3A_461 = vector.broadcast %jit3A_460 : f32 to vector<128x8192xf32>
    %select_n3A_462 = arith.select %eq3A_459, %convert_element_type3A, %broadcast_in_dim3A_461 : vector<128x8192xi1>, vector<128x8192xf32>
    %reduce_min3A_463 = arith.constant dense<0x7F800000> : vector<128xf32>
    %reduce_min3A_464 = vector.multi_reduction <minimumf>, %select_n3A_462, %reduce_min3A_463 [1] : vector<128x8192xf32> to vector<128xf32>
    %broadcast_in_dim3A_465 = vector.shape_cast %reduce_min3A_464 : vector<128xf32> to vector<128x1xf32>
    %convert_element_type3A_466 = arith.fptosi %broadcast_in_dim3A_465 : vector<128x1xf32> to vector<128x1xi32>
    %swap3A_467 = arith.constant 0 : index
    %swap3A_468 = arith.constant 16 : index
    %swap3A_469 = vector.load %arg5[%swap3A_467, %swap3A_468] : memref<128x20xi32, #tpu.memory_space<vmem>>, vector<128x1xi32>
    tpu.vector_store %arg5[%swap3A_467, %swap3A_468], %convert_element_type3A_466 {strides = array<i32>} : memref<128x20xi32, #tpu.memory_space<vmem>>, vector<128x1xi32>,
    %eq3A_470 = vector.broadcast %broadcast_in_dim3A_465 : vector<128x1xf32> to vector<128x8192xf32>
    %eq3A_471 = arith.cmpf oeq, %convert_element_type3A, %eq3A_470 : vector<128x8192xf32>
    %jit3A_472 = arith.constant 0x7F800000 : f32
    %broadcast_in_dim3A_473 = vector.broadcast %jit3A_472 : f32 to vector<128x8192xf32>
    %select_n3A_474 = arith.select %eq3A_471, %broadcast_in_dim3A_473, %get3A_454 : vector<128x8192xi1>, vector<128x8192xf32>
    %swap3A_475 = arith.constant 0 : index
    %swap3A_476 = arith.constant 0 : index
    %swap3A_477 = vector.load %arg6[%swap3A_475, %swap3A_476] : memref<128x8192xf32, #tpu.memory_space<vmem>>, vector<128x8192xf32>
    tpu.vector_store %arg6[%swap3A_475, %swap3A_476], %select_n3A_474 {strides = array<i32>} : memref<128x8192xf32, #tpu.memory_space<vmem>>, vector<128x8192xf32>,
    %get3A_478 = arith.constant 0 : index
    %get3A_479 = arith.constant 0 : index
    %get3A_480 = vector.load %arg6[%get3A_478, %get3A_479] : memref<128x8192xf32, #tpu.memory_space<vmem>>, vector<128x8192xf32>
    %reduce_min3A_481 = arith.constant dense<0x7F800000> : vector<128xf32>
    %reduce_min3A_482 = vector.multi_reduction <minimumf>, %get3A_480, %reduce_min3A_481 [1] : vector<128x8192xf32> to vector<128xf32>
    %broadcast_in_dim3A_483 = vector.shape_cast %reduce_min3A_482 : vector<128xf32> to vector<128x1xf32>
    %eq3A_484 = vector.broadcast %broadcast_in_dim3A_483 : vector<128x1xf32> to vector<128x8192xf32>
    %eq3A_485 = arith.cmpf oeq, %get3A_480, %eq3A_484 : vector<128x8192xf32>
    %jit3A_486 = arith.constant 3.400000e+38 : f32
    %broadcast_in_dim3A_487 = vector.broadcast %jit3A_486 : f32 to vector<128x8192xf32>
    %select_n3A_488 = arith.select %eq3A_485, %convert_element_type3A, %broadcast_in_dim3A_487 : vector<128x8192xi1>, vector<128x8192xf32>
    %reduce_min3A_489 = arith.constant dense<0x7F800000> : vector<128xf32>
    %reduce_min3A_490 = vector.multi_reduction <minimumf>, %select_n3A_488, %reduce_min3A_489 [1] : vector<128x8192xf32> to vector<128xf32>
    %broadcast_in_dim3A_491 = vector.shape_cast %reduce_min3A_490 : vector<128xf32> to vector<128x1xf32>
    %convert_element_type3A_492 = arith.fptosi %broadcast_in_dim3A_491 : vector<128x1xf32> to vector<128x1xi32>
    %swap3A_493 = arith.constant 0 : index
    %swap3A_494 = arith.constant 17 : index
    %swap3A_495 = vector.load %arg5[%swap3A_493, %swap3A_494] : memref<128x20xi32, #tpu.memory_space<vmem>>, vector<128x1xi32>
    tpu.vector_store %arg5[%swap3A_493, %swap3A_494], %convert_element_type3A_492 {strides = array<i32>} : memref<128x20xi32, #tpu.memory_space<vmem>>, vector<128x1xi32>,
    %eq3A_496 = vector.broadcast %broadcast_in_dim3A_491 : vector<128x1xf32> to vector<128x8192xf32>
    %eq3A_497 = arith.cmpf oeq, %convert_element_type3A, %eq3A_496 : vector<128x8192xf32>
    %jit3A_498 = arith.constant 0x7F800000 : f32
    %broadcast_in_dim3A_499 = vector.broadcast %jit3A_498 : f32 to vector<128x8192xf32>
    %select_n3A_500 = arith.select %eq3A_497, %broadcast_in_dim3A_499, %get3A_480 : vector<128x8192xi1>, vector<128x8192xf32>
    %swap3A_501 = arith.constant 0 : index
    %swap3A_502 = arith.constant 0 : index
    %swap3A_503 = vector.load %arg6[%swap3A_501, %swap3A_502] : memref<128x8192xf32, #tpu.memory_space<vmem>>, vector<128x8192xf32>
    tpu.vector_store %arg6[%swap3A_501, %swap3A_502], %select_n3A_500 {strides = array<i32>} : memref<128x8192xf32, #tpu.memory_space<vmem>>, vector<128x8192xf32>,
    %get3A_504 = arith.constant 0 : index
    %get3A_505 = arith.constant 0 : index
    %get3A_506 = vector.load %arg6[%get3A_504, %get3A_505] : memref<128x8192xf32, #tpu.memory_space<vmem>>, vector<128x8192xf32>
    %reduce_min3A_507 = arith.constant dense<0x7F800000> : vector<128xf32>
    %reduce_min3A_508 = vector.multi_reduction <minimumf>, %get3A_506, %reduce_min3A_507 [1] : vector<128x8192xf32> to vector<128xf32>
    %broadcast_in_dim3A_509 = vector.shape_cast %reduce_min3A_508 : vector<128xf32> to vector<128x1xf32>
    %eq3A_510 = vector.broadcast %broadcast_in_dim3A_509 : vector<128x1xf32> to vector<128x8192xf32>
    %eq3A_511 = arith.cmpf oeq, %get3A_506, %eq3A_510 : vector<128x8192xf32>
    %jit3A_512 = arith.constant 3.400000e+38 : f32
    %broadcast_in_dim3A_513 = vector.broadcast %jit3A_512 : f32 to vector<128x8192xf32>
    %select_n3A_514 = arith.select %eq3A_511, %convert_element_type3A, %broadcast_in_dim3A_513 : vector<128x8192xi1>, vector<128x8192xf32>
    %reduce_min3A_515 = arith.constant dense<0x7F800000> : vector<128xf32>
    %reduce_min3A_516 = vector.multi_reduction <minimumf>, %select_n3A_514, %reduce_min3A_515 [1] : vector<128x8192xf32> to vector<128xf32>
    %broadcast_in_dim3A_517 = vector.shape_cast %reduce_min3A_516 : vector<128xf32> to vector<128x1xf32>
    %convert_element_type3A_518 = arith.fptosi %broadcast_in_dim3A_517 : vector<128x1xf32> to vector<128x1xi32>
    %swap3A_519 = arith.constant 0 : index
    %swap3A_520 = arith.constant 18 : index
    %swap3A_521 = vector.load %arg5[%swap3A_519, %swap3A_520] : memref<128x20xi32, #tpu.memory_space<vmem>>, vector<128x1xi32>
    tpu.vector_store %arg5[%swap3A_519, %swap3A_520], %convert_element_type3A_518 {strides = array<i32>} : memref<128x20xi32, #tpu.memory_space<vmem>>, vector<128x1xi32>,
    %eq3A_522 = vector.broadcast %broadcast_in_dim3A_517 : vector<128x1xf32> to vector<128x8192xf32>
    %eq3A_523 = arith.cmpf oeq, %convert_element_type3A, %eq3A_522 : vector<128x8192xf32>
    %jit3A_524 = arith.constant 0x7F800000 : f32
    %broadcast_in_dim3A_525 = vector.broadcast %jit3A_524 : f32 to vector<128x8192xf32>
    %select_n3A_526 = arith.select %eq3A_523, %broadcast_in_dim3A_525, %get3A_506 : vector<128x8192xi1>, vector<128x8192xf32>
    %swap3A_527 = arith.constant 0 : index
    %swap3A_528 = arith.constant 0 : index
    %swap3A_529 = vector.load %arg6[%swap3A_527, %swap3A_528] : memref<128x8192xf32, #tpu.memory_space<vmem>>, vector<128x8192xf32>
    tpu.vector_store %arg6[%swap3A_527, %swap3A_528], %select_n3A_526 {strides = array<i32>} : memref<128x8192xf32, #tpu.memory_space<vmem>>, vector<128x8192xf32>,
    %get3A_530 = arith.constant 0 : index
    %get3A_531 = arith.constant 0 : index
    %get3A_532 = vector.load %arg6[%get3A_530, %get3A_531] : memref<128x8192xf32, #tpu.memory_space<vmem>>, vector<128x8192xf32>
    %reduce_min3A_533 = arith.constant dense<0x7F800000> : vector<128xf32>
    %reduce_min3A_534 = vector.multi_reduction <minimumf>, %get3A_532, %reduce_min3A_533 [1] : vector<128x8192xf32> to vector<128xf32>
    %broadcast_in_dim3A_535 = vector.shape_cast %reduce_min3A_534 : vector<128xf32> to vector<128x1xf32>
    %eq3A_536 = vector.broadcast %broadcast_in_dim3A_535 : vector<128x1xf32> to vector<128x8192xf32>
    %eq3A_537 = arith.cmpf oeq, %get3A_532, %eq3A_536 : vector<128x8192xf32>
    %jit3A_538 = arith.constant 3.400000e+38 : f32
    %broadcast_in_dim3A_539 = vector.broadcast %jit3A_538 : f32 to vector<128x8192xf32>
    %select_n3A_540 = arith.select %eq3A_537, %convert_element_type3A, %broadcast_in_dim3A_539 : vector<128x8192xi1>, vector<128x8192xf32>
    %reduce_min3A_541 = arith.constant dense<0x7F800000> : vector<128xf32>
    %reduce_min3A_542 = vector.multi_reduction <minimumf>, %select_n3A_540, %reduce_min3A_541 [1] : vector<128x8192xf32> to vector<128xf32>
    %broadcast_in_dim3A_543 = vector.shape_cast %reduce_min3A_542 : vector<128xf32> to vector<128x1xf32>
    %convert_element_type3A_544 = arith.fptosi %broadcast_in_dim3A_543 : vector<128x1xf32> to vector<128x1xi32>
    %swap3A_545 = arith.constant 0 : index
    %swap3A_546 = arith.constant 19 : index
    %swap3A_547 = vector.load %arg5[%swap3A_545, %swap3A_546] : memref<128x20xi32, #tpu.memory_space<vmem>>, vector<128x1xi32>
    tpu.vector_store %arg5[%swap3A_545, %swap3A_546], %convert_element_type3A_544 {strides = array<i32>} : memref<128x20xi32, #tpu.memory_space<vmem>>, vector<128x1xi32>,
    %eq3A_548 = vector.broadcast %broadcast_in_dim3A_543 : vector<128x1xf32> to vector<128x8192xf32>
    %eq3A_549 = arith.cmpf oeq, %convert_element_type3A, %eq3A_548 : vector<128x8192xf32>
    %jit3A_550 = arith.constant 0x7F800000 : f32
    %broadcast_in_dim3A_551 = vector.broadcast %jit3A_550 : f32 to vector<128x8192xf32>
    %select_n3A_552 = arith.select %eq3A_549, %broadcast_in_dim3A_551, %get3A_532 : vector<128x8192xi1>, vector<128x8192xf32>
    %swap3A_553 = arith.constant 0 : index
    %swap3A_554 = arith.constant 0 : index
    %swap3A_555 = vector.load %arg6[%swap3A_553, %swap3A_554] : memref<128x8192xf32, #tpu.memory_space<vmem>>, vector<128x8192xf32>
    tpu.vector_store %arg6[%swap3A_553, %swap3A_554], %select_n3A_552 {strides = array<i32>} : memref<128x8192xf32, #tpu.memory_space<vmem>>, vector<128x8192xf32>,
    return
  }
  func.func @transform_0(%arg0: i32) -> (i32, i32) {
    %c0_i32 = arith.constant 0 : i32
    %c0_i32_0 = arith.constant 0 : i32
    return %arg0, %c0_i32 : i32, i32
  }
  func.func @transform_1(%arg0: i32) -> (i32, i32) {
    %c0_i32 = arith.constant 0 : i32
    %c0_i32_0 = arith.constant 0 : i32
    %c0_i32_1 = arith.constant 0 : i32
    return %c0_i32, %c0_i32_0 : i32, i32
  }
  func.func @transform_2(%arg0: i32) -> (i32, i32) {
    %c0_i32 = arith.constant 0 : i32
    %c0_i32_0 = arith.constant 0 : i32
    return %arg0, %c0_i32 : i32, i32
  }
  func.func @transform_3(%arg0: i32) -> (i32, i32) {
    %c0_i32 = arith.constant 0 : i32
    %c0_i32_0 = arith.constant 0 : i32
    %c0_i32_1 = arith.constant 0 : i32
    return %c0_i32, %c0_i32_0 : i32, i32
  }
  func.func @transform_4(%arg0: i32) -> (i32, i32) {
    %c0_i32 = arith.constant 0 : i32
    %c0_i32_0 = arith.constant 0 : i32
    return %arg0, %c0_i32 : i32, i32
  }
}

module attributes {stable_mosaic.version = 14 : i64} {
  func.func @_edge_kernel(%arg0: i32, %arg1: memref<20x256x16xf32, #tpu.memory_space<vmem>>, %arg2: memref<256x16xf32, #tpu.memory_space<vmem>>, %arg3: memref<256x1xi32, #tpu.memory_space<vmem>>, %arg4: memref<96x64xf32, #tpu.memory_space<vmem>>, %arg5: memref<1x64xf32, #tpu.memory_space<vmem>>, %arg6: memref<1024x128xf32, #tpu.memory_space<vmem>>, %arg7: memref<1x128xf32, #tpu.memory_space<vmem>>, %arg8: memref<2048x1024xf32, #tpu.memory_space<vmem>>, %arg9: memref<1x1024xf32, #tpu.memory_space<vmem>>, %arg10: memref<8x1024xf32, #tpu.memory_space<vmem>>, %arg11: memref<8x1024xf32, #tpu.memory_space<vmem>>, %arg12: memref<8x128xf32, #tpu.memory_space<vmem>>) attributes {dimension_semantics = [#tpu.dimension_semantics<arbitrary>], iteration_bounds = array<i64: 32>, scalar_prefetch = 0 : i64, scratch_operands = 0 : i64, tpu.core_type = #tpu.core_type<tc>, window_params = [{transform_indices = @transform_0, window_bounds = array<i64: 20, 256, 16>}, {transform_indices = @transform_1, window_bounds = array<i64: 256, 16>}, {transform_indices = @transform_2, window_bounds = array<i64: 256, 1>}, {pipeline_mode = #tpu.pipeline_mode<synchronous>, transform_indices = @transform_3, window_bounds = array<i64: 96, 64>}, {pipeline_mode = #tpu.pipeline_mode<synchronous>, transform_indices = @transform_4, window_bounds = array<i64: 1, 64>}, {pipeline_mode = #tpu.pipeline_mode<synchronous>, transform_indices = @transform_5, window_bounds = array<i64: 1024, 128>}, {pipeline_mode = #tpu.pipeline_mode<synchronous>, transform_indices = @transform_6, window_bounds = array<i64: 1, 128>}, {pipeline_mode = #tpu.pipeline_mode<synchronous>, transform_indices = @transform_7, window_bounds = array<i64: 2048, 1024>}, {pipeline_mode = #tpu.pipeline_mode<synchronous>, transform_indices = @transform_8, window_bounds = array<i64: 1, 1024>}, {pipeline_mode = #tpu.pipeline_mode<synchronous>, transform_indices = @transform_9, window_bounds = array<i64: 8, 1024>}, {pipeline_mode = #tpu.pipeline_mode<synchronous>, transform_indices = @transform_10, window_bounds = array<i64: 8, 1024>}, {pipeline_mode = #tpu.pipeline_mode<synchronous>, transform_indices = @transform_11, window_bounds = array<i64: 8, 128>}]} {
    %get3A = arith.constant 0 : index
    %get3A_0 = arith.constant 0 : index
    %get3A_1 = vector.load %arg2[%get3A, %get3A_0] : memref<256x16xf32, #tpu.memory_space<vmem>>, vector<256x3xf32>
    %get3A_2 = arith.constant 0 : index
    %get3A_3 = arith.constant 0 : index
    %get3A_4 = vector.load %arg4[%get3A_2, %get3A_3] : memref<96x64xf32, #tpu.memory_space<vmem>>, vector<96x64xf32>
    %get3A_5 = arith.constant 0 : index
    %get3A_6 = arith.constant 0 : index
    %get3A_7 = vector.load %arg5[%get3A_5, %get3A_6] : memref<1x64xf32, #tpu.memory_space<vmem>>, vector<1x64xf32>
    %get3A_8 = arith.constant 0 : index
    %get3A_9 = arith.constant 0 : index
    %get3A_10 = vector.load %arg6[%get3A_8, %get3A_9] : memref<1024x128xf32, #tpu.memory_space<vmem>>, vector<1024x128xf32>
    %get3A_11 = arith.constant 0 : index
    %get3A_12 = arith.constant 0 : index
    %get3A_13 = vector.load %arg7[%get3A_11, %get3A_12] : memref<1x128xf32, #tpu.memory_space<vmem>>, vector<1x128xf32>
    %mul3A = arith.constant 1.000000e+00 : f32
    %mul3A_14 = vector.broadcast %mul3A : f32 to vector<256x3xf32>
    %mul3A_15 = arith.mulf %get3A_1, %mul3A_14 : vector<256x3xf32>
    %mul3A_16 = arith.constant 2.000000e+00 : f32
    %mul3A_17 = vector.broadcast %mul3A_16 : f32 to vector<256x3xf32>
    %mul3A_18 = arith.mulf %get3A_1, %mul3A_17 : vector<256x3xf32>
    %mul3A_19 = arith.constant 3.000000e+00 : f32
    %mul3A_20 = vector.broadcast %mul3A_19 : f32 to vector<256x3xf32>
    %mul3A_21 = arith.mulf %get3A_1, %mul3A_20 : vector<256x3xf32>
    %mul3A_22 = arith.constant 4.000000e+00 : f32
    %mul3A_23 = vector.broadcast %mul3A_22 : f32 to vector<256x3xf32>
    %mul3A_24 = arith.mulf %get3A_1, %mul3A_23 : vector<256x3xf32>
    %mul3A_25 = arith.constant 5.000000e+00 : f32
    %mul3A_26 = vector.broadcast %mul3A_25 : f32 to vector<256x3xf32>
    %mul3A_27 = arith.mulf %get3A_1, %mul3A_26 : vector<256x3xf32>
    %mul3A_28 = arith.constant 6.000000e+00 : f32
    %mul3A_29 = vector.broadcast %mul3A_28 : f32 to vector<256x3xf32>
    %mul3A_30 = arith.mulf %get3A_1, %mul3A_29 : vector<256x3xf32>
    %mul3A_31 = arith.constant 7.000000e+00 : f32
    %mul3A_32 = vector.broadcast %mul3A_31 : f32 to vector<256x3xf32>
    %mul3A_33 = arith.mulf %get3A_1, %mul3A_32 : vector<256x3xf32>
    %mul3A_34 = arith.constant 8.000000e+00 : f32
    %mul3A_35 = vector.broadcast %mul3A_34 : f32 to vector<256x3xf32>
    %mul3A_36 = arith.mulf %get3A_1, %mul3A_35 : vector<256x3xf32>
    %concatenate3A = tpu.concatenate %mul3A_15, %mul3A_18, %mul3A_21, %mul3A_24, %mul3A_27, %mul3A_30, %mul3A_33, %mul3A_36 in 1 : vector<256x3xf32>, vector<256x3xf32>, vector<256x3xf32>, vector<256x3xf32>, vector<256x3xf32>, vector<256x3xf32>, vector<256x3xf32>, vector<256x3xf32> -> vector<256x24xf32>
    %cos3A = math.cos %concatenate3A : vector<256x24xf32>
    %sin3A = math.sin %concatenate3A : vector<256x24xf32>
    %broadcast_in_dim3A = arith.constant 0xFF800000 : f32
    %broadcast_in_dim3A_37 = vector.broadcast %broadcast_in_dim3A : f32 to vector<256x128xf32>
    %scan3A = arith.constant 0 : i32
    %scan3A_38 = arith.constant 10 : i32
    %scan3A_39 = arith.addi %scan3A, %scan3A_38 : i32
    %scan3A_40 = arith.constant 1 : i32
    %scan3A_41 = scf.for %scan3A_483 = %scan3A to %scan3A_39 step %scan3A_40 iter_args(%scan3A_484 = %broadcast_in_dim3A_37) -> (vector<256x128xf32>)  : i32 {
      %mul3A_485 = arith.constant 2 : i32
      %mul3A_486 = arith.muli %mul3A_485, %scan3A_483 : i32
      %get3A_487 = arith.index_cast %mul3A_486 : i32 to index
      %get3A_488 = arith.constant 0 : index
      %get3A_489 = arith.constant 0 : index
      %get3A_490 = vector.load %arg1[%get3A_487, %get3A_488, %get3A_489] : memref<20x256x16xf32, #tpu.memory_space<vmem>>, vector<1x256x16xf32>
      %reshape3A = vector.shape_cast %get3A_490 : vector<1x256x16xf32> to vector<256x16xf32>
      %mul3A_491 = arith.constant 2 : i32
      %mul3A_492 = arith.muli %mul3A_491, %scan3A_483 : i32
      %add3A_493 = arith.constant 1 : i32
      %add3A_494 = arith.addi %mul3A_492, %add3A_493 : i32
      %get3A_495 = arith.index_cast %add3A_494 : i32 to index
      %get3A_496 = arith.constant 0 : index
      %get3A_497 = arith.constant 0 : index
      %get3A_498 = vector.load %arg1[%get3A_495, %get3A_496, %get3A_497] : memref<20x256x16xf32, #tpu.memory_space<vmem>>, vector<1x256x16xf32>
      %reshape3A_499 = vector.shape_cast %get3A_498 : vector<1x256x16xf32> to vector<256x16xf32>
      %slice3A_500 = vector.extract_strided_slice %reshape3A {offsets = [0, 0], sizes = [256, 3], strides = [1, 1]} : vector<256x16xf32> to vector<256x3xf32>
      %sub3A = arith.subf %slice3A_500, %get3A_1 : vector<256x3xf32>
      %slice3A_501 = vector.extract_strided_slice %reshape3A_499 {offsets = [0, 0], sizes = [256, 3], strides = [1, 1]} : vector<256x16xf32> to vector<256x3xf32>
      %sub3A_502 = arith.subf %slice3A_501, %get3A_1 : vector<256x3xf32>
      %mul3A_503 = arith.constant 1.000000e+00 : f32
      %mul3A_504 = vector.broadcast %mul3A_503 : f32 to vector<256x3xf32>
      %mul3A_505 = arith.mulf %sub3A, %mul3A_504 : vector<256x3xf32>
      %mul3A_506 = arith.constant 2.000000e+00 : f32
      %mul3A_507 = vector.broadcast %mul3A_506 : f32 to vector<256x3xf32>
      %mul3A_508 = arith.mulf %sub3A, %mul3A_507 : vector<256x3xf32>
      %mul3A_509 = arith.constant 3.000000e+00 : f32
      %mul3A_510 = vector.broadcast %mul3A_509 : f32 to vector<256x3xf32>
      %mul3A_511 = arith.mulf %sub3A, %mul3A_510 : vector<256x3xf32>
      %mul3A_512 = arith.constant 4.000000e+00 : f32
      %mul3A_513 = vector.broadcast %mul3A_512 : f32 to vector<256x3xf32>
      %mul3A_514 = arith.mulf %sub3A, %mul3A_513 : vector<256x3xf32>
      %mul3A_515 = arith.constant 5.000000e+00 : f32
      %mul3A_516 = vector.broadcast %mul3A_515 : f32 to vector<256x3xf32>
      %mul3A_517 = arith.mulf %sub3A, %mul3A_516 : vector<256x3xf32>
      %mul3A_518 = arith.constant 6.000000e+00 : f32
      %mul3A_519 = vector.broadcast %mul3A_518 : f32 to vector<256x3xf32>
      %mul3A_520 = arith.mulf %sub3A, %mul3A_519 : vector<256x3xf32>
      %mul3A_521 = arith.constant 7.000000e+00 : f32
      %mul3A_522 = vector.broadcast %mul3A_521 : f32 to vector<256x3xf32>
      %mul3A_523 = arith.mulf %sub3A, %mul3A_522 : vector<256x3xf32>
      %mul3A_524 = arith.constant 8.000000e+00 : f32
      %mul3A_525 = vector.broadcast %mul3A_524 : f32 to vector<256x3xf32>
      %mul3A_526 = arith.mulf %sub3A, %mul3A_525 : vector<256x3xf32>
      %mul3A_527 = arith.constant 1.000000e+00 : f32
      %mul3A_528 = vector.broadcast %mul3A_527 : f32 to vector<256x3xf32>
      %mul3A_529 = arith.mulf %sub3A_502, %mul3A_528 : vector<256x3xf32>
      %mul3A_530 = arith.constant 2.000000e+00 : f32
      %mul3A_531 = vector.broadcast %mul3A_530 : f32 to vector<256x3xf32>
      %mul3A_532 = arith.mulf %sub3A_502, %mul3A_531 : vector<256x3xf32>
      %mul3A_533 = arith.constant 3.000000e+00 : f32
      %mul3A_534 = vector.broadcast %mul3A_533 : f32 to vector<256x3xf32>
      %mul3A_535 = arith.mulf %sub3A_502, %mul3A_534 : vector<256x3xf32>
      %mul3A_536 = arith.constant 4.000000e+00 : f32
      %mul3A_537 = vector.broadcast %mul3A_536 : f32 to vector<256x3xf32>
      %mul3A_538 = arith.mulf %sub3A_502, %mul3A_537 : vector<256x3xf32>
      %mul3A_539 = arith.constant 5.000000e+00 : f32
      %mul3A_540 = vector.broadcast %mul3A_539 : f32 to vector<256x3xf32>
      %mul3A_541 = arith.mulf %sub3A_502, %mul3A_540 : vector<256x3xf32>
      %mul3A_542 = arith.constant 6.000000e+00 : f32
      %mul3A_543 = vector.broadcast %mul3A_542 : f32 to vector<256x3xf32>
      %mul3A_544 = arith.mulf %sub3A_502, %mul3A_543 : vector<256x3xf32>
      %mul3A_545 = arith.constant 7.000000e+00 : f32
      %mul3A_546 = vector.broadcast %mul3A_545 : f32 to vector<256x3xf32>
      %mul3A_547 = arith.mulf %sub3A_502, %mul3A_546 : vector<256x3xf32>
      %mul3A_548 = arith.constant 8.000000e+00 : f32
      %mul3A_549 = vector.broadcast %mul3A_548 : f32 to vector<256x3xf32>
      %mul3A_550 = arith.mulf %sub3A_502, %mul3A_549 : vector<256x3xf32>
      %concatenate3A_551 = tpu.concatenate %mul3A_505, %mul3A_508, %mul3A_511, %mul3A_514, %mul3A_517, %mul3A_520, %mul3A_523, %mul3A_526, %mul3A_529, %mul3A_532, %mul3A_535, %mul3A_538, %mul3A_541, %mul3A_544, %mul3A_547, %mul3A_550 in 1 : vector<256x3xf32>, vector<256x3xf32>, vector<256x3xf32>, vector<256x3xf32>, vector<256x3xf32>, vector<256x3xf32>, vector<256x3xf32>, vector<256x3xf32>, vector<256x3xf32>, vector<256x3xf32>, vector<256x3xf32>, vector<256x3xf32>, vector<256x3xf32>, vector<256x3xf32>, vector<256x3xf32>, vector<256x3xf32> -> vector<256x48xf32>
      %cos3A_552 = math.cos %concatenate3A_551 : vector<256x48xf32>
      %sin3A_553 = math.sin %concatenate3A_551 : vector<256x48xf32>
      %slice3A_554 = vector.extract_strided_slice %cos3A_552 {offsets = [0, 0], sizes = [256, 24], strides = [1, 1]} : vector<256x48xf32> to vector<256x24xf32>
      %slice3A_555 = vector.extract_strided_slice %sin3A_553 {offsets = [0, 0], sizes = [256, 24], strides = [1, 1]} : vector<256x48xf32> to vector<256x24xf32>
      %concatenate3A_556 = tpu.concatenate %cos3A, %slice3A_554, %sin3A, %slice3A_555 in 1 : vector<256x24xf32>, vector<256x24xf32>, vector<256x24xf32>, vector<256x24xf32> -> vector<256x96xf32>
      %slice3A_557 = vector.extract_strided_slice %cos3A_552 {offsets = [0, 24], sizes = [256, 24], strides = [1, 1]} : vector<256x48xf32> to vector<256x24xf32>
      %slice3A_558 = vector.extract_strided_slice %sin3A_553 {offsets = [0, 24], sizes = [256, 24], strides = [1, 1]} : vector<256x48xf32> to vector<256x24xf32>
      %concatenate3A_559 = tpu.concatenate %cos3A, %slice3A_557, %sin3A, %slice3A_558 in 1 : vector<256x24xf32>, vector<256x24xf32>, vector<256x24xf32>, vector<256x24xf32> -> vector<256x96xf32>
      %concatenate3A_560 = tpu.concatenate %concatenate3A_556, %concatenate3A_559 in 0 : vector<256x96xf32>, vector<256x96xf32> -> vector<512x96xf32>
      %dot_general3A_561 = arith.constant dense<0.000000e+00> : vector<512x64xf32>
      %dot_general3A_562 = tpu.matmul %concatenate3A_560, %get3A_4, %dot_general3A_561 {dimension_numbers = #tpu.dot_dimension_numbers<[1], [0], [0], [1], [0, 0, 1, 1], [], []>, transpose_lhs_hint = false} : vector<512x96xf32>, vector<96x64xf32>, vector<512x64xf32> -> vector<512x64xf32>
      %add3A_563 = vector.broadcast %get3A_7 : vector<1x64xf32> to vector<512x64xf32>
      %add3A_564 = arith.addf %dot_general3A_562, %add3A_563 : vector<512x64xf32>
      %slice3A_565 = vector.extract_strided_slice %add3A_564 {offsets = [0, 0], sizes = [256, 64], strides = [1, 1]} : vector<512x64xf32> to vector<256x64xf32>
      %slice3A_566 = vector.extract_strided_slice %add3A_564 {offsets = [256, 0], sizes = [256, 64], strides = [1, 1]} : vector<512x64xf32> to vector<256x64xf32>
      %concatenate3A_567 = tpu.concatenate %slice3A_565, %slice3A_566 in 1 : vector<256x64xf32>, vector<256x64xf32> -> vector<256x128xf32>
      %cos3A_568 = math.cos %concatenate3A_567 : vector<256x128xf32>
      %sin3A_569 = math.sin %concatenate3A_567 : vector<256x128xf32>
      %slice3A_570 = vector.extract_strided_slice %cos3A_568 {offsets = [0, 0], sizes = [256, 64], strides = [1, 1]} : vector<256x128xf32> to vector<256x64xf32>
      %slice3A_571 = vector.extract_strided_slice %sin3A_569 {offsets = [0, 0], sizes = [256, 64], strides = [1, 1]} : vector<256x128xf32> to vector<256x64xf32>
      %concatenate3A_572 = tpu.concatenate %slice3A_570, %slice3A_570 in 1 : vector<256x64xf32>, vector<256x64xf32> -> vector<256x128xf32>
      %neg3A_573 = arith.constant 0.000000e+00 : f32
      %neg3A_574 = vector.broadcast %neg3A_573 : f32 to vector<256x64xf32>
      %neg3A_575 = arith.subf %neg3A_574, %slice3A_571 : vector<256x64xf32>
      %concatenate3A_576 = tpu.concatenate %neg3A_575, %slice3A_571 in 1 : vector<256x64xf32>, vector<256x64xf32> -> vector<256x128xf32>
      %concatenate3A_577 = tpu.concatenate %slice3A_570, %slice3A_571 in 1 : vector<256x64xf32>, vector<256x64xf32> -> vector<256x128xf32>
      %slice3A_578 = vector.extract_strided_slice %concatenate3A_577 {offsets = [0, 64], sizes = [256, 64], strides = [1, 1]} : vector<256x128xf32> to vector<256x64xf32>
      %slice3A_579 = vector.extract_strided_slice %concatenate3A_577 {offsets = [0, 0], sizes = [256, 64], strides = [1, 1]} : vector<256x128xf32> to vector<256x64xf32>
      %concatenate3A_580 = tpu.concatenate %slice3A_578, %slice3A_579 in 1 : vector<256x64xf32>, vector<256x64xf32> -> vector<256x128xf32>
      %mul3A_581 = arith.mulf %concatenate3A_577, %concatenate3A_572 : vector<256x128xf32>
      %mul3A_582 = arith.mulf %concatenate3A_580, %concatenate3A_576 : vector<256x128xf32>
      %add3A_583 = arith.addf %mul3A_581, %mul3A_582 : vector<256x128xf32>
      %slice3A_584 = vector.extract_strided_slice %add3A_583 {offsets = [0, 64], sizes = [256, 64], strides = [1, 1]} : vector<256x128xf32> to vector<256x64xf32>
      %slice3A_585 = vector.extract_strided_slice %add3A_583 {offsets = [0, 0], sizes = [256, 64], strides = [1, 1]} : vector<256x128xf32> to vector<256x64xf32>
      %concatenate3A_586 = tpu.concatenate %slice3A_584, %slice3A_585 in 1 : vector<256x64xf32>, vector<256x64xf32> -> vector<256x128xf32>
      %mul3A_587 = arith.mulf %add3A_583, %concatenate3A_572 : vector<256x128xf32>
      %mul3A_588 = arith.mulf %concatenate3A_586, %concatenate3A_576 : vector<256x128xf32>
      %add3A_589 = arith.addf %mul3A_587, %mul3A_588 : vector<256x128xf32>
      %slice3A_590 = vector.extract_strided_slice %add3A_589 {offsets = [0, 64], sizes = [256, 64], strides = [1, 1]} : vector<256x128xf32> to vector<256x64xf32>
      %slice3A_591 = vector.extract_strided_slice %add3A_589 {offsets = [0, 0], sizes = [256, 64], strides = [1, 1]} : vector<256x128xf32> to vector<256x64xf32>
      %concatenate3A_592 = tpu.concatenate %slice3A_590, %slice3A_591 in 1 : vector<256x64xf32>, vector<256x64xf32> -> vector<256x128xf32>
      %mul3A_593 = arith.mulf %add3A_589, %concatenate3A_572 : vector<256x128xf32>
      %mul3A_594 = arith.mulf %concatenate3A_592, %concatenate3A_576 : vector<256x128xf32>
      %add3A_595 = arith.addf %mul3A_593, %mul3A_594 : vector<256x128xf32>
      %slice3A_596 = vector.extract_strided_slice %add3A_595 {offsets = [0, 64], sizes = [256, 64], strides = [1, 1]} : vector<256x128xf32> to vector<256x64xf32>
      %slice3A_597 = vector.extract_strided_slice %add3A_595 {offsets = [0, 0], sizes = [256, 64], strides = [1, 1]} : vector<256x128xf32> to vector<256x64xf32>
      %concatenate3A_598 = tpu.concatenate %slice3A_596, %slice3A_597 in 1 : vector<256x64xf32>, vector<256x64xf32> -> vector<256x128xf32>
      %mul3A_599 = arith.mulf %add3A_595, %concatenate3A_572 : vector<256x128xf32>
      %mul3A_600 = arith.mulf %concatenate3A_598, %concatenate3A_576 : vector<256x128xf32>
      %add3A_601 = arith.addf %mul3A_599, %mul3A_600 : vector<256x128xf32>
      %slice3A_602 = vector.extract_strided_slice %add3A_601 {offsets = [0, 64], sizes = [256, 64], strides = [1, 1]} : vector<256x128xf32> to vector<256x64xf32>
      %slice3A_603 = vector.extract_strided_slice %add3A_601 {offsets = [0, 0], sizes = [256, 64], strides = [1, 1]} : vector<256x128xf32> to vector<256x64xf32>
      %concatenate3A_604 = tpu.concatenate %slice3A_602, %slice3A_603 in 1 : vector<256x64xf32>, vector<256x64xf32> -> vector<256x128xf32>
      %mul3A_605 = arith.mulf %add3A_601, %concatenate3A_572 : vector<256x128xf32>
      %mul3A_606 = arith.mulf %concatenate3A_604, %concatenate3A_576 : vector<256x128xf32>
      %add3A_607 = arith.addf %mul3A_605, %mul3A_606 : vector<256x128xf32>
      %slice3A_608 = vector.extract_strided_slice %add3A_607 {offsets = [0, 64], sizes = [256, 64], strides = [1, 1]} : vector<256x128xf32> to vector<256x64xf32>
      %slice3A_609 = vector.extract_strided_slice %add3A_607 {offsets = [0, 0], sizes = [256, 64], strides = [1, 1]} : vector<256x128xf32> to vector<256x64xf32>
      %concatenate3A_610 = tpu.concatenate %slice3A_608, %slice3A_609 in 1 : vector<256x64xf32>, vector<256x64xf32> -> vector<256x128xf32>
      %mul3A_611 = arith.mulf %add3A_607, %concatenate3A_572 : vector<256x128xf32>
      %mul3A_612 = arith.mulf %concatenate3A_610, %concatenate3A_576 : vector<256x128xf32>
      %add3A_613 = arith.addf %mul3A_611, %mul3A_612 : vector<256x128xf32>
      %slice3A_614 = vector.extract_strided_slice %add3A_613 {offsets = [0, 64], sizes = [256, 64], strides = [1, 1]} : vector<256x128xf32> to vector<256x64xf32>
      %slice3A_615 = vector.extract_strided_slice %add3A_613 {offsets = [0, 0], sizes = [256, 64], strides = [1, 1]} : vector<256x128xf32> to vector<256x64xf32>
      %concatenate3A_616 = tpu.concatenate %slice3A_614, %slice3A_615 in 1 : vector<256x64xf32>, vector<256x64xf32> -> vector<256x128xf32>
      %mul3A_617 = arith.mulf %add3A_613, %concatenate3A_572 : vector<256x128xf32>
      %mul3A_618 = arith.mulf %concatenate3A_616, %concatenate3A_576 : vector<256x128xf32>
      %add3A_619 = arith.addf %mul3A_617, %mul3A_618 : vector<256x128xf32>
      %concatenate3A_620 = tpu.concatenate %concatenate3A_577, %add3A_583, %add3A_589, %add3A_595, %add3A_601, %add3A_607, %add3A_613, %add3A_619 in 1 : vector<256x128xf32>, vector<256x128xf32>, vector<256x128xf32>, vector<256x128xf32>, vector<256x128xf32>, vector<256x128xf32>, vector<256x128xf32>, vector<256x128xf32> -> vector<256x1024xf32>
      %slice3A_621 = vector.extract_strided_slice %cos3A_568 {offsets = [0, 64], sizes = [256, 64], strides = [1, 1]} : vector<256x128xf32> to vector<256x64xf32>
      %slice3A_622 = vector.extract_strided_slice %sin3A_569 {offsets = [0, 64], sizes = [256, 64], strides = [1, 1]} : vector<256x128xf32> to vector<256x64xf32>
      %concatenate3A_623 = tpu.concatenate %slice3A_621, %slice3A_621 in 1 : vector<256x64xf32>, vector<256x64xf32> -> vector<256x128xf32>
      %neg3A_624 = arith.constant 0.000000e+00 : f32
      %neg3A_625 = vector.broadcast %neg3A_624 : f32 to vector<256x64xf32>
      %neg3A_626 = arith.subf %neg3A_625, %slice3A_622 : vector<256x64xf32>
      %concatenate3A_627 = tpu.concatenate %neg3A_626, %slice3A_622 in 1 : vector<256x64xf32>, vector<256x64xf32> -> vector<256x128xf32>
      %concatenate3A_628 = tpu.concatenate %slice3A_621, %slice3A_622 in 1 : vector<256x64xf32>, vector<256x64xf32> -> vector<256x128xf32>
      %slice3A_629 = vector.extract_strided_slice %concatenate3A_628 {offsets = [0, 64], sizes = [256, 64], strides = [1, 1]} : vector<256x128xf32> to vector<256x64xf32>
      %slice3A_630 = vector.extract_strided_slice %concatenate3A_628 {offsets = [0, 0], sizes = [256, 64], strides = [1, 1]} : vector<256x128xf32> to vector<256x64xf32>
      %concatenate3A_631 = tpu.concatenate %slice3A_629, %slice3A_630 in 1 : vector<256x64xf32>, vector<256x64xf32> -> vector<256x128xf32>
      %mul3A_632 = arith.mulf %concatenate3A_628, %concatenate3A_623 : vector<256x128xf32>
      %mul3A_633 = arith.mulf %concatenate3A_631, %concatenate3A_627 : vector<256x128xf32>
      %add3A_634 = arith.addf %mul3A_632, %mul3A_633 : vector<256x128xf32>
      %slice3A_635 = vector.extract_strided_slice %add3A_634 {offsets = [0, 64], sizes = [256, 64], strides = [1, 1]} : vector<256x128xf32> to vector<256x64xf32>
      %slice3A_636 = vector.extract_strided_slice %add3A_634 {offsets = [0, 0], sizes = [256, 64], strides = [1, 1]} : vector<256x128xf32> to vector<256x64xf32>
      %concatenate3A_637 = tpu.concatenate %slice3A_635, %slice3A_636 in 1 : vector<256x64xf32>, vector<256x64xf32> -> vector<256x128xf32>
      %mul3A_638 = arith.mulf %add3A_634, %concatenate3A_623 : vector<256x128xf32>
      %mul3A_639 = arith.mulf %concatenate3A_637, %concatenate3A_627 : vector<256x128xf32>
      %add3A_640 = arith.addf %mul3A_638, %mul3A_639 : vector<256x128xf32>
      %slice3A_641 = vector.extract_strided_slice %add3A_640 {offsets = [0, 64], sizes = [256, 64], strides = [1, 1]} : vector<256x128xf32> to vector<256x64xf32>
      %slice3A_642 = vector.extract_strided_slice %add3A_640 {offsets = [0, 0], sizes = [256, 64], strides = [1, 1]} : vector<256x128xf32> to vector<256x64xf32>
      %concatenate3A_643 = tpu.concatenate %slice3A_641, %slice3A_642 in 1 : vector<256x64xf32>, vector<256x64xf32> -> vector<256x128xf32>
      %mul3A_644 = arith.mulf %add3A_640, %concatenate3A_623 : vector<256x128xf32>
      %mul3A_645 = arith.mulf %concatenate3A_643, %concatenate3A_627 : vector<256x128xf32>
      %add3A_646 = arith.addf %mul3A_644, %mul3A_645 : vector<256x128xf32>
      %slice3A_647 = vector.extract_strided_slice %add3A_646 {offsets = [0, 64], sizes = [256, 64], strides = [1, 1]} : vector<256x128xf32> to vector<256x64xf32>
      %slice3A_648 = vector.extract_strided_slice %add3A_646 {offsets = [0, 0], sizes = [256, 64], strides = [1, 1]} : vector<256x128xf32> to vector<256x64xf32>
      %concatenate3A_649 = tpu.concatenate %slice3A_647, %slice3A_648 in 1 : vector<256x64xf32>, vector<256x64xf32> -> vector<256x128xf32>
      %mul3A_650 = arith.mulf %add3A_646, %concatenate3A_623 : vector<256x128xf32>
      %mul3A_651 = arith.mulf %concatenate3A_649, %concatenate3A_627 : vector<256x128xf32>
      %add3A_652 = arith.addf %mul3A_650, %mul3A_651 : vector<256x128xf32>
      %slice3A_653 = vector.extract_strided_slice %add3A_652 {offsets = [0, 64], sizes = [256, 64], strides = [1, 1]} : vector<256x128xf32> to vector<256x64xf32>
      %slice3A_654 = vector.extract_strided_slice %add3A_652 {offsets = [0, 0], sizes = [256, 64], strides = [1, 1]} : vector<256x128xf32> to vector<256x64xf32>
      %concatenate3A_655 = tpu.concatenate %slice3A_653, %slice3A_654 in 1 : vector<256x64xf32>, vector<256x64xf32> -> vector<256x128xf32>
      %mul3A_656 = arith.mulf %add3A_652, %concatenate3A_623 : vector<256x128xf32>
      %mul3A_657 = arith.mulf %concatenate3A_655, %concatenate3A_627 : vector<256x128xf32>
      %add3A_658 = arith.addf %mul3A_656, %mul3A_657 : vector<256x128xf32>
      %slice3A_659 = vector.extract_strided_slice %add3A_658 {offsets = [0, 64], sizes = [256, 64], strides = [1, 1]} : vector<256x128xf32> to vector<256x64xf32>
      %slice3A_660 = vector.extract_strided_slice %add3A_658 {offsets = [0, 0], sizes = [256, 64], strides = [1, 1]} : vector<256x128xf32> to vector<256x64xf32>
      %concatenate3A_661 = tpu.concatenate %slice3A_659, %slice3A_660 in 1 : vector<256x64xf32>, vector<256x64xf32> -> vector<256x128xf32>
      %mul3A_662 = arith.mulf %add3A_658, %concatenate3A_623 : vector<256x128xf32>
      %mul3A_663 = arith.mulf %concatenate3A_661, %concatenate3A_627 : vector<256x128xf32>
      %add3A_664 = arith.addf %mul3A_662, %mul3A_663 : vector<256x128xf32>
      %slice3A_665 = vector.extract_strided_slice %add3A_664 {offsets = [0, 64], sizes = [256, 64], strides = [1, 1]} : vector<256x128xf32> to vector<256x64xf32>
      %slice3A_666 = vector.extract_strided_slice %add3A_664 {offsets = [0, 0], sizes = [256, 64], strides = [1, 1]} : vector<256x128xf32> to vector<256x64xf32>
      %concatenate3A_667 = tpu.concatenate %slice3A_665, %slice3A_666 in 1 : vector<256x64xf32>, vector<256x64xf32> -> vector<256x128xf32>
      %mul3A_668 = arith.mulf %add3A_664, %concatenate3A_623 : vector<256x128xf32>
      %mul3A_669 = arith.mulf %concatenate3A_667, %concatenate3A_627 : vector<256x128xf32>
      %add3A_670 = arith.addf %mul3A_668, %mul3A_669 : vector<256x128xf32>
      %concatenate3A_671 = tpu.concatenate %concatenate3A_628, %add3A_634, %add3A_640, %add3A_646, %add3A_652, %add3A_658, %add3A_664, %add3A_670 in 1 : vector<256x128xf32>, vector<256x128xf32>, vector<256x128xf32>, vector<256x128xf32>, vector<256x128xf32>, vector<256x128xf32>, vector<256x128xf32>, vector<256x128xf32> -> vector<256x1024xf32>
      %concatenate3A_672 = tpu.concatenate %concatenate3A_620, %concatenate3A_671 in 0 : vector<256x1024xf32>, vector<256x1024xf32> -> vector<512x1024xf32>
      %dot_general3A_673 = arith.constant dense<0.000000e+00> : vector<512x128xf32>
      %dot_general3A_674 = tpu.matmul %concatenate3A_672, %get3A_10, %dot_general3A_673 {dimension_numbers = #tpu.dot_dimension_numbers<[1], [0], [0], [1], [0, 0, 1, 1], [], []>, transpose_lhs_hint = false} : vector<512x1024xf32>, vector<1024x128xf32>, vector<512x128xf32> -> vector<512x128xf32>
      %add3A_675 = vector.broadcast %get3A_13 : vector<1x128xf32> to vector<512x128xf32>
      %add3A_676 = arith.addf %dot_general3A_674, %add3A_675 : vector<512x128xf32>
      %slice3A_677 = vector.extract_strided_slice %add3A_676 {offsets = [0, 0], sizes = [256, 128], strides = [1, 1]} : vector<512x128xf32> to vector<256x128xf32>
      %slice3A_678 = vector.extract_strided_slice %add3A_676 {offsets = [256, 0], sizes = [256, 128], strides = [1, 1]} : vector<512x128xf32> to vector<256x128xf32>
      %max3A_679 = arith.maximumf %slice3A_677, %slice3A_678 : vector<256x128xf32>
      %max3A_680 = arith.maximumf %scan3A_484, %max3A_679 : vector<256x128xf32>
      scf.yield %max3A_680 : vector<256x128xf32>
    }
    %scan3A_42 = arith.constant 10 : i32
    %cos3A_43 = math.cos %scan3A_41 : vector<256x128xf32>
    %sin3A_44 = math.sin %scan3A_41 : vector<256x128xf32>
    %concatenate3A_45 = tpu.concatenate %cos3A_43, %cos3A_43 in 1 : vector<256x128xf32>, vector<256x128xf32> -> vector<256x256xf32>
    %neg3A = arith.constant 0.000000e+00 : f32
    %neg3A_46 = vector.broadcast %neg3A : f32 to vector<256x128xf32>
    %neg3A_47 = arith.subf %neg3A_46, %sin3A_44 : vector<256x128xf32>
    %concatenate3A_48 = tpu.concatenate %neg3A_47, %sin3A_44 in 1 : vector<256x128xf32>, vector<256x128xf32> -> vector<256x256xf32>
    %concatenate3A_49 = tpu.concatenate %cos3A_43, %sin3A_44 in 1 : vector<256x128xf32>, vector<256x128xf32> -> vector<256x256xf32>
    %slice3A = vector.extract_strided_slice %concatenate3A_49 {offsets = [0, 128], sizes = [256, 128], strides = [1, 1]} : vector<256x256xf32> to vector<256x128xf32>
    %slice3A_50 = vector.extract_strided_slice %concatenate3A_49 {offsets = [0, 0], sizes = [256, 128], strides = [1, 1]} : vector<256x256xf32> to vector<256x128xf32>
    %concatenate3A_51 = tpu.concatenate %slice3A, %slice3A_50 in 1 : vector<256x128xf32>, vector<256x128xf32> -> vector<256x256xf32>
    %mul3A_52 = arith.mulf %concatenate3A_49, %concatenate3A_45 : vector<256x256xf32>
    %mul3A_53 = arith.mulf %concatenate3A_51, %concatenate3A_48 : vector<256x256xf32>
    %add3A = arith.addf %mul3A_52, %mul3A_53 : vector<256x256xf32>
    %slice3A_54 = vector.extract_strided_slice %add3A {offsets = [0, 128], sizes = [256, 128], strides = [1, 1]} : vector<256x256xf32> to vector<256x128xf32>
    %slice3A_55 = vector.extract_strided_slice %add3A {offsets = [0, 0], sizes = [256, 128], strides = [1, 1]} : vector<256x256xf32> to vector<256x128xf32>
    %concatenate3A_56 = tpu.concatenate %slice3A_54, %slice3A_55 in 1 : vector<256x128xf32>, vector<256x128xf32> -> vector<256x256xf32>
    %mul3A_57 = arith.mulf %add3A, %concatenate3A_45 : vector<256x256xf32>
    %mul3A_58 = arith.mulf %concatenate3A_56, %concatenate3A_48 : vector<256x256xf32>
    %add3A_59 = arith.addf %mul3A_57, %mul3A_58 : vector<256x256xf32>
    %slice3A_60 = vector.extract_strided_slice %add3A_59 {offsets = [0, 128], sizes = [256, 128], strides = [1, 1]} : vector<256x256xf32> to vector<256x128xf32>
    %slice3A_61 = vector.extract_strided_slice %add3A_59 {offsets = [0, 0], sizes = [256, 128], strides = [1, 1]} : vector<256x256xf32> to vector<256x128xf32>
    %concatenate3A_62 = tpu.concatenate %slice3A_60, %slice3A_61 in 1 : vector<256x128xf32>, vector<256x128xf32> -> vector<256x256xf32>
    %mul3A_63 = arith.mulf %add3A_59, %concatenate3A_45 : vector<256x256xf32>
    %mul3A_64 = arith.mulf %concatenate3A_62, %concatenate3A_48 : vector<256x256xf32>
    %add3A_65 = arith.addf %mul3A_63, %mul3A_64 : vector<256x256xf32>
    %slice3A_66 = vector.extract_strided_slice %add3A_65 {offsets = [0, 128], sizes = [256, 128], strides = [1, 1]} : vector<256x256xf32> to vector<256x128xf32>
    %slice3A_67 = vector.extract_strided_slice %add3A_65 {offsets = [0, 0], sizes = [256, 128], strides = [1, 1]} : vector<256x256xf32> to vector<256x128xf32>
    %concatenate3A_68 = tpu.concatenate %slice3A_66, %slice3A_67 in 1 : vector<256x128xf32>, vector<256x128xf32> -> vector<256x256xf32>
    %mul3A_69 = arith.mulf %add3A_65, %concatenate3A_45 : vector<256x256xf32>
    %mul3A_70 = arith.mulf %concatenate3A_68, %concatenate3A_48 : vector<256x256xf32>
    %add3A_71 = arith.addf %mul3A_69, %mul3A_70 : vector<256x256xf32>
    %slice3A_72 = vector.extract_strided_slice %add3A_71 {offsets = [0, 128], sizes = [256, 128], strides = [1, 1]} : vector<256x256xf32> to vector<256x128xf32>
    %slice3A_73 = vector.extract_strided_slice %add3A_71 {offsets = [0, 0], sizes = [256, 128], strides = [1, 1]} : vector<256x256xf32> to vector<256x128xf32>
    %concatenate3A_74 = tpu.concatenate %slice3A_72, %slice3A_73 in 1 : vector<256x128xf32>, vector<256x128xf32> -> vector<256x256xf32>
    %mul3A_75 = arith.mulf %add3A_71, %concatenate3A_45 : vector<256x256xf32>
    %mul3A_76 = arith.mulf %concatenate3A_74, %concatenate3A_48 : vector<256x256xf32>
    %add3A_77 = arith.addf %mul3A_75, %mul3A_76 : vector<256x256xf32>
    %slice3A_78 = vector.extract_strided_slice %add3A_77 {offsets = [0, 128], sizes = [256, 128], strides = [1, 1]} : vector<256x256xf32> to vector<256x128xf32>
    %slice3A_79 = vector.extract_strided_slice %add3A_77 {offsets = [0, 0], sizes = [256, 128], strides = [1, 1]} : vector<256x256xf32> to vector<256x128xf32>
    %concatenate3A_80 = tpu.concatenate %slice3A_78, %slice3A_79 in 1 : vector<256x128xf32>, vector<256x128xf32> -> vector<256x256xf32>
    %mul3A_81 = arith.mulf %add3A_77, %concatenate3A_45 : vector<256x256xf32>
    %mul3A_82 = arith.mulf %concatenate3A_80, %concatenate3A_48 : vector<256x256xf32>
    %add3A_83 = arith.addf %mul3A_81, %mul3A_82 : vector<256x256xf32>
    %slice3A_84 = vector.extract_strided_slice %add3A_83 {offsets = [0, 128], sizes = [256, 128], strides = [1, 1]} : vector<256x256xf32> to vector<256x128xf32>
    %slice3A_85 = vector.extract_strided_slice %add3A_83 {offsets = [0, 0], sizes = [256, 128], strides = [1, 1]} : vector<256x256xf32> to vector<256x128xf32>
    %concatenate3A_86 = tpu.concatenate %slice3A_84, %slice3A_85 in 1 : vector<256x128xf32>, vector<256x128xf32> -> vector<256x256xf32>
    %mul3A_87 = arith.mulf %add3A_83, %concatenate3A_45 : vector<256x256xf32>
    %mul3A_88 = arith.mulf %concatenate3A_86, %concatenate3A_48 : vector<256x256xf32>
    %add3A_89 = arith.addf %mul3A_87, %mul3A_88 : vector<256x256xf32>
    %concatenate3A_90 = tpu.concatenate %concatenate3A_49, %add3A, %add3A_59, %add3A_65, %add3A_71, %add3A_77, %add3A_83, %add3A_89 in 1 : vector<256x256xf32>, vector<256x256xf32>, vector<256x256xf32>, vector<256x256xf32>, vector<256x256xf32>, vector<256x256xf32>, vector<256x256xf32>, vector<256x256xf32> -> vector<256x2048xf32>
    %get3A_91 = arith.constant 0 : index
    %get3A_92 = arith.constant 0 : index
    %get3A_93 = vector.load %arg8[%get3A_91, %get3A_92] : memref<2048x1024xf32, #tpu.memory_space<vmem>>, vector<2048x1024xf32>
    %dot_general3A = arith.constant dense<0.000000e+00> : vector<256x1024xf32>
    %dot_general3A_94 = tpu.matmul %concatenate3A_90, %get3A_93, %dot_general3A {dimension_numbers = #tpu.dot_dimension_numbers<[1], [0], [0], [1], [0, 0, 1, 1], [], []>, transpose_lhs_hint = false} : vector<256x2048xf32>, vector<2048x1024xf32>, vector<256x1024xf32> -> vector<256x1024xf32>
    %get3A_95 = arith.constant 0 : index
    %get3A_96 = arith.constant 0 : index
    %get3A_97 = vector.load %arg9[%get3A_95, %get3A_96] : memref<1x1024xf32, #tpu.memory_space<vmem>>, vector<1x1024xf32>
    %add3A_98 = vector.broadcast %get3A_97 : vector<1x1024xf32> to vector<256x1024xf32>
    %add3A_99 = arith.addf %dot_general3A_94, %add3A_98 : vector<256x1024xf32>
    %eq3A = arith.constant 0 : i32
    %eq3A_100 = arith.cmpi eq, %arg0, %eq3A : i32
    %convert_element_type3A = arith.extui %eq3A_100 : i1 to i32
    %cond3A = arith.constant 0 : i32
    %cond3A_101 = arith.cmpi ne, %convert_element_type3A, %cond3A : i32
    scf.if %cond3A_101 {
      %broadcast_in_dim3A_483 = arith.constant 0xFF800000 : f32
      %broadcast_in_dim3A_484 = vector.broadcast %broadcast_in_dim3A_483 : f32 to vector<8x1024xf32>
      %swap3A_485 = arith.constant 0 : index
      %swap3A_486 = arith.constant 0 : index
      %swap3A_487 = vector.load %arg10[%swap3A_485, %swap3A_486] : memref<8x1024xf32, #tpu.memory_space<vmem>>, vector<8x1024xf32>
      tpu.vector_store %arg10[%swap3A_485, %swap3A_486], %broadcast_in_dim3A_484 {strides = array<i32>} : memref<8x1024xf32, #tpu.memory_space<vmem>>, vector<8x1024xf32>,
      %broadcast_in_dim3A_488 = arith.constant 0.000000e+00 : f32
      %broadcast_in_dim3A_489 = vector.broadcast %broadcast_in_dim3A_488 : f32 to vector<8x1024xf32>
      %swap3A_490 = arith.constant 0 : index
      %swap3A_491 = arith.constant 0 : index
      %swap3A_492 = vector.load %arg11[%swap3A_490, %swap3A_491] : memref<8x1024xf32, #tpu.memory_space<vmem>>, vector<8x1024xf32>
      tpu.vector_store %arg11[%swap3A_490, %swap3A_491], %broadcast_in_dim3A_489 {strides = array<i32>} : memref<8x1024xf32, #tpu.memory_space<vmem>>, vector<8x1024xf32>,
      %broadcast_in_dim3A_493 = arith.constant 0.000000e+00 : f32
      %broadcast_in_dim3A_494 = vector.broadcast %broadcast_in_dim3A_493 : f32 to vector<8x128xf32>
      %swap3A_495 = arith.constant 0 : index
      %swap3A_496 = arith.constant 0 : index
      %swap3A_497 = vector.load %arg12[%swap3A_495, %swap3A_496] : memref<8x128xf32, #tpu.memory_space<vmem>>, vector<8x128xf32>
      tpu.vector_store %arg12[%swap3A_495, %swap3A_496], %broadcast_in_dim3A_494 {strides = array<i32>} : memref<8x128xf32, #tpu.memory_space<vmem>>, vector<8x128xf32>,
    } else {
    }
    %get3A_102 = arith.constant 0 : index
    %get3A_103 = arith.constant 0 : index
    %get3A_104 = vector.load %arg3[%get3A_102, %get3A_103] : memref<256x1xi32, #tpu.memory_space<vmem>>, vector<256x1xi32>
    %eq3A_105 = arith.constant 0 : i32
    %eq3A_106 = vector.broadcast %eq3A_105 : i32 to vector<256x1xi32>
    %eq3A_107 = arith.cmpi eq, %get3A_104, %eq3A_106 : vector<256x1xi32>
    %jit3A = arith.constant 0xFF800000 : f32
    %broadcast_in_dim3A_108 = vector.shape_cast %eq3A_107 : vector<256x1xi1> to vector<256x1xi1>
    %broadcast_in_dim3A_109 = vector.broadcast %broadcast_in_dim3A_108 : vector<256x1xi1> to vector<256x1024xi1>
    %broadcast_in_dim3A_110 = vector.broadcast %jit3A : f32 to vector<256x1024xf32>
    %select_n3A = arith.select %broadcast_in_dim3A_109, %add3A_99, %broadcast_in_dim3A_110 : vector<256x1024xi1>, vector<256x1024xf32>
    %reduce_max3A = arith.constant dense<0xFF800000> : vector<1024xf32>
    %reduce_max3A_111 = vector.multi_reduction <maximumf>, %select_n3A, %reduce_max3A [0] : vector<256x1024xf32> to vector<1024xf32>
    %broadcast_in_dim3A_112 = vector.shape_cast %reduce_max3A_111 : vector<1024xf32> to vector<1x1024xf32>
    %jit3A_113 = arith.constant 0.000000e+00 : f32
    %broadcast_in_dim3A_114 = vector.shape_cast %eq3A_107 : vector<256x1xi1> to vector<256x1xi1>
    %broadcast_in_dim3A_115 = vector.broadcast %broadcast_in_dim3A_114 : vector<256x1xi1> to vector<256x1024xi1>
    %broadcast_in_dim3A_116 = vector.broadcast %jit3A_113 : f32 to vector<256x1024xf32>
    %select_n3A_117 = arith.select %broadcast_in_dim3A_115, %add3A_99, %broadcast_in_dim3A_116 : vector<256x1024xi1>, vector<256x1024xf32>
    %reduce_sum3A = arith.constant dense<0.000000e+00> : vector<1024xf32>
    %reduce_sum3A_118 = vector.multi_reduction <add>, %select_n3A_117, %reduce_sum3A [0] : vector<256x1024xf32> to vector<1024xf32>
    %broadcast_in_dim3A_119 = vector.shape_cast %reduce_sum3A_118 : vector<1024xf32> to vector<1x1024xf32>
    %convert_element_type3A_120 = arith.extui %eq3A_107 : vector<256x1xi1> to vector<256x1xi32>
    %convert_element_type3A_121 = arith.sitofp %convert_element_type3A_120 : vector<256x1xi32> to vector<256x1xf32>
    %reduce_sum3A_122 = vector.shape_cast %convert_element_type3A_121 : vector<256x1xf32> to vector<1x256x1xf32>
    %reduce_sum3A_123 = arith.constant dense<0.000000e+00> : vector<1xf32>
    %reduce_sum3A_124 = vector.multi_reduction <add>, %reduce_sum3A_122, %reduce_sum3A_123 [1, 2] : vector<1x256x1xf32> to vector<1xf32>
    %reduce_sum3A_125 = vector.shape_cast %reduce_sum3A_124 : vector<1xf32> to vector<1x1x1xf32>
    %reduce_sum3A_126 = vector.extract %reduce_sum3A_125[0, 0, 0] : f32 from vector<1x1x1xf32>
    %get3A_127 = arith.constant 0 : index
    %get3A_128 = arith.constant 0 : index
    %get3A_129 = vector.load %arg10[%get3A_127, %get3A_128] : memref<8x1024xf32, #tpu.memory_space<vmem>>, vector<1x1024xf32>
    %max3A = arith.maximumf %get3A_129, %broadcast_in_dim3A_112 : vector<1x1024xf32>
    %swap3A = arith.constant 0 : index
    %swap3A_130 = arith.constant 0 : index
    %swap3A_131 = vector.load %arg10[%swap3A, %swap3A_130] : memref<8x1024xf32, #tpu.memory_space<vmem>>, vector<1x1024xf32>
    tpu.vector_store %arg10[%swap3A, %swap3A_130], %max3A {strides = array<i32>} : memref<8x1024xf32, #tpu.memory_space<vmem>>, vector<1x1024xf32>,
    %get3A_132 = arith.constant 0 : index
    %get3A_133 = arith.constant 0 : index
    %get3A_134 = vector.load %arg11[%get3A_132, %get3A_133] : memref<8x1024xf32, #tpu.memory_space<vmem>>, vector<1x1024xf32>
    %add3A_135 = arith.addf %get3A_134, %broadcast_in_dim3A_119 : vector<1x1024xf32>
    %swap3A_136 = arith.constant 0 : index
    %swap3A_137 = arith.constant 0 : index
    %swap3A_138 = vector.load %arg11[%swap3A_136, %swap3A_137] : memref<8x1024xf32, #tpu.memory_space<vmem>>, vector<1x1024xf32>
    tpu.vector_store %arg11[%swap3A_136, %swap3A_137], %add3A_135 {strides = array<i32>} : memref<8x1024xf32, #tpu.memory_space<vmem>>, vector<1x1024xf32>,
    %get3A_139 = arith.constant 0 : index
    %get3A_140 = arith.constant 0 : index
    %get3A_141 = vector.load %arg12[%get3A_139, %get3A_140] : memref<8x128xf32, #tpu.memory_space<vmem>>, vector<1x128xf32>
    %add3A_142 = vector.broadcast %reduce_sum3A_126 : f32 to vector<1x128xf32>
    %add3A_143 = arith.addf %get3A_141, %add3A_142 : vector<1x128xf32>
    %swap3A_144 = arith.constant 0 : index
    %swap3A_145 = arith.constant 0 : index
    %swap3A_146 = vector.load %arg12[%swap3A_144, %swap3A_145] : memref<8x128xf32, #tpu.memory_space<vmem>>, vector<1x128xf32>
    tpu.vector_store %arg12[%swap3A_144, %swap3A_145], %add3A_143 {strides = array<i32>} : memref<8x128xf32, #tpu.memory_space<vmem>>, vector<1x128xf32>,
    %eq3A_147 = arith.constant 1 : i32
    %eq3A_148 = vector.broadcast %eq3A_147 : i32 to vector<256x1xi32>
    %eq3A_149 = arith.cmpi eq, %get3A_104, %eq3A_148 : vector<256x1xi32>
    %jit3A_150 = arith.constant 0xFF800000 : f32
    %broadcast_in_dim3A_151 = vector.shape_cast %eq3A_149 : vector<256x1xi1> to vector<256x1xi1>
    %broadcast_in_dim3A_152 = vector.broadcast %broadcast_in_dim3A_151 : vector<256x1xi1> to vector<256x1024xi1>
    %broadcast_in_dim3A_153 = vector.broadcast %jit3A_150 : f32 to vector<256x1024xf32>
    %select_n3A_154 = arith.select %broadcast_in_dim3A_152, %add3A_99, %broadcast_in_dim3A_153 : vector<256x1024xi1>, vector<256x1024xf32>
    %reduce_max3A_155 = arith.constant dense<0xFF800000> : vector<1024xf32>
    %reduce_max3A_156 = vector.multi_reduction <maximumf>, %select_n3A_154, %reduce_max3A_155 [0] : vector<256x1024xf32> to vector<1024xf32>
    %broadcast_in_dim3A_157 = vector.shape_cast %reduce_max3A_156 : vector<1024xf32> to vector<1x1024xf32>
    %jit3A_158 = arith.constant 0.000000e+00 : f32
    %broadcast_in_dim3A_159 = vector.shape_cast %eq3A_149 : vector<256x1xi1> to vector<256x1xi1>
    %broadcast_in_dim3A_160 = vector.broadcast %broadcast_in_dim3A_159 : vector<256x1xi1> to vector<256x1024xi1>
    %broadcast_in_dim3A_161 = vector.broadcast %jit3A_158 : f32 to vector<256x1024xf32>
    %select_n3A_162 = arith.select %broadcast_in_dim3A_160, %add3A_99, %broadcast_in_dim3A_161 : vector<256x1024xi1>, vector<256x1024xf32>
    %reduce_sum3A_163 = arith.constant dense<0.000000e+00> : vector<1024xf32>
    %reduce_sum3A_164 = vector.multi_reduction <add>, %select_n3A_162, %reduce_sum3A_163 [0] : vector<256x1024xf32> to vector<1024xf32>
    %broadcast_in_dim3A_165 = vector.shape_cast %reduce_sum3A_164 : vector<1024xf32> to vector<1x1024xf32>
    %convert_element_type3A_166 = arith.extui %eq3A_149 : vector<256x1xi1> to vector<256x1xi32>
    %convert_element_type3A_167 = arith.sitofp %convert_element_type3A_166 : vector<256x1xi32> to vector<256x1xf32>
    %reduce_sum3A_168 = vector.shape_cast %convert_element_type3A_167 : vector<256x1xf32> to vector<1x256x1xf32>
    %reduce_sum3A_169 = arith.constant dense<0.000000e+00> : vector<1xf32>
    %reduce_sum3A_170 = vector.multi_reduction <add>, %reduce_sum3A_168, %reduce_sum3A_169 [1, 2] : vector<1x256x1xf32> to vector<1xf32>
    %reduce_sum3A_171 = vector.shape_cast %reduce_sum3A_170 : vector<1xf32> to vector<1x1x1xf32>
    %reduce_sum3A_172 = vector.extract %reduce_sum3A_171[0, 0, 0] : f32 from vector<1x1x1xf32>
    %get3A_173 = arith.constant 1 : index
    %get3A_174 = arith.constant 0 : index
    %get3A_175 = vector.load %arg10[%get3A_173, %get3A_174] : memref<8x1024xf32, #tpu.memory_space<vmem>>, vector<1x1024xf32>
    %max3A_176 = arith.maximumf %get3A_175, %broadcast_in_dim3A_157 : vector<1x1024xf32>
    %swap3A_177 = arith.constant 1 : index
    %swap3A_178 = arith.constant 0 : index
    %swap3A_179 = vector.load %arg10[%swap3A_177, %swap3A_178] : memref<8x1024xf32, #tpu.memory_space<vmem>>, vector<1x1024xf32>
    tpu.vector_store %arg10[%swap3A_177, %swap3A_178], %max3A_176 {strides = array<i32>} : memref<8x1024xf32, #tpu.memory_space<vmem>>, vector<1x1024xf32>,
    %get3A_180 = arith.constant 1 : index
    %get3A_181 = arith.constant 0 : index
    %get3A_182 = vector.load %arg11[%get3A_180, %get3A_181] : memref<8x1024xf32, #tpu.memory_space<vmem>>, vector<1x1024xf32>
    %add3A_183 = arith.addf %get3A_182, %broadcast_in_dim3A_165 : vector<1x1024xf32>
    %swap3A_184 = arith.constant 1 : index
    %swap3A_185 = arith.constant 0 : index
    %swap3A_186 = vector.load %arg11[%swap3A_184, %swap3A_185] : memref<8x1024xf32, #tpu.memory_space<vmem>>, vector<1x1024xf32>
    tpu.vector_store %arg11[%swap3A_184, %swap3A_185], %add3A_183 {strides = array<i32>} : memref<8x1024xf32, #tpu.memory_space<vmem>>, vector<1x1024xf32>,
    %get3A_187 = arith.constant 1 : index
    %get3A_188 = arith.constant 0 : index
    %get3A_189 = vector.load %arg12[%get3A_187, %get3A_188] : memref<8x128xf32, #tpu.memory_space<vmem>>, vector<1x128xf32>
    %add3A_190 = vector.broadcast %reduce_sum3A_172 : f32 to vector<1x128xf32>
    %add3A_191 = arith.addf %get3A_189, %add3A_190 : vector<1x128xf32>
    %swap3A_192 = arith.constant 1 : index
    %swap3A_193 = arith.constant 0 : index
    %swap3A_194 = vector.load %arg12[%swap3A_192, %swap3A_193] : memref<8x128xf32, #tpu.memory_space<vmem>>, vector<1x128xf32>
    tpu.vector_store %arg12[%swap3A_192, %swap3A_193], %add3A_191 {strides = array<i32>} : memref<8x128xf32, #tpu.memory_space<vmem>>, vector<1x128xf32>,
    %eq3A_195 = arith.constant 2 : i32
    %eq3A_196 = vector.broadcast %eq3A_195 : i32 to vector<256x1xi32>
    %eq3A_197 = arith.cmpi eq, %get3A_104, %eq3A_196 : vector<256x1xi32>
    %jit3A_198 = arith.constant 0xFF800000 : f32
    %broadcast_in_dim3A_199 = vector.shape_cast %eq3A_197 : vector<256x1xi1> to vector<256x1xi1>
    %broadcast_in_dim3A_200 = vector.broadcast %broadcast_in_dim3A_199 : vector<256x1xi1> to vector<256x1024xi1>
    %broadcast_in_dim3A_201 = vector.broadcast %jit3A_198 : f32 to vector<256x1024xf32>
    %select_n3A_202 = arith.select %broadcast_in_dim3A_200, %add3A_99, %broadcast_in_dim3A_201 : vector<256x1024xi1>, vector<256x1024xf32>
    %reduce_max3A_203 = arith.constant dense<0xFF800000> : vector<1024xf32>
    %reduce_max3A_204 = vector.multi_reduction <maximumf>, %select_n3A_202, %reduce_max3A_203 [0] : vector<256x1024xf32> to vector<1024xf32>
    %broadcast_in_dim3A_205 = vector.shape_cast %reduce_max3A_204 : vector<1024xf32> to vector<1x1024xf32>
    %jit3A_206 = arith.constant 0.000000e+00 : f32
    %broadcast_in_dim3A_207 = vector.shape_cast %eq3A_197 : vector<256x1xi1> to vector<256x1xi1>
    %broadcast_in_dim3A_208 = vector.broadcast %broadcast_in_dim3A_207 : vector<256x1xi1> to vector<256x1024xi1>
    %broadcast_in_dim3A_209 = vector.broadcast %jit3A_206 : f32 to vector<256x1024xf32>
    %select_n3A_210 = arith.select %broadcast_in_dim3A_208, %add3A_99, %broadcast_in_dim3A_209 : vector<256x1024xi1>, vector<256x1024xf32>
    %reduce_sum3A_211 = arith.constant dense<0.000000e+00> : vector<1024xf32>
    %reduce_sum3A_212 = vector.multi_reduction <add>, %select_n3A_210, %reduce_sum3A_211 [0] : vector<256x1024xf32> to vector<1024xf32>
    %broadcast_in_dim3A_213 = vector.shape_cast %reduce_sum3A_212 : vector<1024xf32> to vector<1x1024xf32>
    %convert_element_type3A_214 = arith.extui %eq3A_197 : vector<256x1xi1> to vector<256x1xi32>
    %convert_element_type3A_215 = arith.sitofp %convert_element_type3A_214 : vector<256x1xi32> to vector<256x1xf32>
    %reduce_sum3A_216 = vector.shape_cast %convert_element_type3A_215 : vector<256x1xf32> to vector<1x256x1xf32>
    %reduce_sum3A_217 = arith.constant dense<0.000000e+00> : vector<1xf32>
    %reduce_sum3A_218 = vector.multi_reduction <add>, %reduce_sum3A_216, %reduce_sum3A_217 [1, 2] : vector<1x256x1xf32> to vector<1xf32>
    %reduce_sum3A_219 = vector.shape_cast %reduce_sum3A_218 : vector<1xf32> to vector<1x1x1xf32>
    %reduce_sum3A_220 = vector.extract %reduce_sum3A_219[0, 0, 0] : f32 from vector<1x1x1xf32>
    %get3A_221 = arith.constant 2 : index
    %get3A_222 = arith.constant 0 : index
    %get3A_223 = vector.load %arg10[%get3A_221, %get3A_222] : memref<8x1024xf32, #tpu.memory_space<vmem>>, vector<1x1024xf32>
    %max3A_224 = arith.maximumf %get3A_223, %broadcast_in_dim3A_205 : vector<1x1024xf32>
    %swap3A_225 = arith.constant 2 : index
    %swap3A_226 = arith.constant 0 : index
    %swap3A_227 = vector.load %arg10[%swap3A_225, %swap3A_226] : memref<8x1024xf32, #tpu.memory_space<vmem>>, vector<1x1024xf32>
    tpu.vector_store %arg10[%swap3A_225, %swap3A_226], %max3A_224 {strides = array<i32>} : memref<8x1024xf32, #tpu.memory_space<vmem>>, vector<1x1024xf32>,
    %get3A_228 = arith.constant 2 : index
    %get3A_229 = arith.constant 0 : index
    %get3A_230 = vector.load %arg11[%get3A_228, %get3A_229] : memref<8x1024xf32, #tpu.memory_space<vmem>>, vector<1x1024xf32>
    %add3A_231 = arith.addf %get3A_230, %broadcast_in_dim3A_213 : vector<1x1024xf32>
    %swap3A_232 = arith.constant 2 : index
    %swap3A_233 = arith.constant 0 : index
    %swap3A_234 = vector.load %arg11[%swap3A_232, %swap3A_233] : memref<8x1024xf32, #tpu.memory_space<vmem>>, vector<1x1024xf32>
    tpu.vector_store %arg11[%swap3A_232, %swap3A_233], %add3A_231 {strides = array<i32>} : memref<8x1024xf32, #tpu.memory_space<vmem>>, vector<1x1024xf32>,
    %get3A_235 = arith.constant 2 : index
    %get3A_236 = arith.constant 0 : index
    %get3A_237 = vector.load %arg12[%get3A_235, %get3A_236] : memref<8x128xf32, #tpu.memory_space<vmem>>, vector<1x128xf32>
    %add3A_238 = vector.broadcast %reduce_sum3A_220 : f32 to vector<1x128xf32>
    %add3A_239 = arith.addf %get3A_237, %add3A_238 : vector<1x128xf32>
    %swap3A_240 = arith.constant 2 : index
    %swap3A_241 = arith.constant 0 : index
    %swap3A_242 = vector.load %arg12[%swap3A_240, %swap3A_241] : memref<8x128xf32, #tpu.memory_space<vmem>>, vector<1x128xf32>
    tpu.vector_store %arg12[%swap3A_240, %swap3A_241], %add3A_239 {strides = array<i32>} : memref<8x128xf32, #tpu.memory_space<vmem>>, vector<1x128xf32>,
    %eq3A_243 = arith.constant 3 : i32
    %eq3A_244 = vector.broadcast %eq3A_243 : i32 to vector<256x1xi32>
    %eq3A_245 = arith.cmpi eq, %get3A_104, %eq3A_244 : vector<256x1xi32>
    %jit3A_246 = arith.constant 0xFF800000 : f32
    %broadcast_in_dim3A_247 = vector.shape_cast %eq3A_245 : vector<256x1xi1> to vector<256x1xi1>
    %broadcast_in_dim3A_248 = vector.broadcast %broadcast_in_dim3A_247 : vector<256x1xi1> to vector<256x1024xi1>
    %broadcast_in_dim3A_249 = vector.broadcast %jit3A_246 : f32 to vector<256x1024xf32>
    %select_n3A_250 = arith.select %broadcast_in_dim3A_248, %add3A_99, %broadcast_in_dim3A_249 : vector<256x1024xi1>, vector<256x1024xf32>
    %reduce_max3A_251 = arith.constant dense<0xFF800000> : vector<1024xf32>
    %reduce_max3A_252 = vector.multi_reduction <maximumf>, %select_n3A_250, %reduce_max3A_251 [0] : vector<256x1024xf32> to vector<1024xf32>
    %broadcast_in_dim3A_253 = vector.shape_cast %reduce_max3A_252 : vector<1024xf32> to vector<1x1024xf32>
    %jit3A_254 = arith.constant 0.000000e+00 : f32
    %broadcast_in_dim3A_255 = vector.shape_cast %eq3A_245 : vector<256x1xi1> to vector<256x1xi1>
    %broadcast_in_dim3A_256 = vector.broadcast %broadcast_in_dim3A_255 : vector<256x1xi1> to vector<256x1024xi1>
    %broadcast_in_dim3A_257 = vector.broadcast %jit3A_254 : f32 to vector<256x1024xf32>
    %select_n3A_258 = arith.select %broadcast_in_dim3A_256, %add3A_99, %broadcast_in_dim3A_257 : vector<256x1024xi1>, vector<256x1024xf32>
    %reduce_sum3A_259 = arith.constant dense<0.000000e+00> : vector<1024xf32>
    %reduce_sum3A_260 = vector.multi_reduction <add>, %select_n3A_258, %reduce_sum3A_259 [0] : vector<256x1024xf32> to vector<1024xf32>
    %broadcast_in_dim3A_261 = vector.shape_cast %reduce_sum3A_260 : vector<1024xf32> to vector<1x1024xf32>
    %convert_element_type3A_262 = arith.extui %eq3A_245 : vector<256x1xi1> to vector<256x1xi32>
    %convert_element_type3A_263 = arith.sitofp %convert_element_type3A_262 : vector<256x1xi32> to vector<256x1xf32>
    %reduce_sum3A_264 = vector.shape_cast %convert_element_type3A_263 : vector<256x1xf32> to vector<1x256x1xf32>
    %reduce_sum3A_265 = arith.constant dense<0.000000e+00> : vector<1xf32>
    %reduce_sum3A_266 = vector.multi_reduction <add>, %reduce_sum3A_264, %reduce_sum3A_265 [1, 2] : vector<1x256x1xf32> to vector<1xf32>
    %reduce_sum3A_267 = vector.shape_cast %reduce_sum3A_266 : vector<1xf32> to vector<1x1x1xf32>
    %reduce_sum3A_268 = vector.extract %reduce_sum3A_267[0, 0, 0] : f32 from vector<1x1x1xf32>
    %get3A_269 = arith.constant 3 : index
    %get3A_270 = arith.constant 0 : index
    %get3A_271 = vector.load %arg10[%get3A_269, %get3A_270] : memref<8x1024xf32, #tpu.memory_space<vmem>>, vector<1x1024xf32>
    %max3A_272 = arith.maximumf %get3A_271, %broadcast_in_dim3A_253 : vector<1x1024xf32>
    %swap3A_273 = arith.constant 3 : index
    %swap3A_274 = arith.constant 0 : index
    %swap3A_275 = vector.load %arg10[%swap3A_273, %swap3A_274] : memref<8x1024xf32, #tpu.memory_space<vmem>>, vector<1x1024xf32>
    tpu.vector_store %arg10[%swap3A_273, %swap3A_274], %max3A_272 {strides = array<i32>} : memref<8x1024xf32, #tpu.memory_space<vmem>>, vector<1x1024xf32>,
    %get3A_276 = arith.constant 3 : index
    %get3A_277 = arith.constant 0 : index
    %get3A_278 = vector.load %arg11[%get3A_276, %get3A_277] : memref<8x1024xf32, #tpu.memory_space<vmem>>, vector<1x1024xf32>
    %add3A_279 = arith.addf %get3A_278, %broadcast_in_dim3A_261 : vector<1x1024xf32>
    %swap3A_280 = arith.constant 3 : index
    %swap3A_281 = arith.constant 0 : index
    %swap3A_282 = vector.load %arg11[%swap3A_280, %swap3A_281] : memref<8x1024xf32, #tpu.memory_space<vmem>>, vector<1x1024xf32>
    tpu.vector_store %arg11[%swap3A_280, %swap3A_281], %add3A_279 {strides = array<i32>} : memref<8x1024xf32, #tpu.memory_space<vmem>>, vector<1x1024xf32>,
    %get3A_283 = arith.constant 3 : index
    %get3A_284 = arith.constant 0 : index
    %get3A_285 = vector.load %arg12[%get3A_283, %get3A_284] : memref<8x128xf32, #tpu.memory_space<vmem>>, vector<1x128xf32>
    %add3A_286 = vector.broadcast %reduce_sum3A_268 : f32 to vector<1x128xf32>
    %add3A_287 = arith.addf %get3A_285, %add3A_286 : vector<1x128xf32>
    %swap3A_288 = arith.constant 3 : index
    %swap3A_289 = arith.constant 0 : index
    %swap3A_290 = vector.load %arg12[%swap3A_288, %swap3A_289] : memref<8x128xf32, #tpu.memory_space<vmem>>, vector<1x128xf32>
    tpu.vector_store %arg12[%swap3A_288, %swap3A_289], %add3A_287 {strides = array<i32>} : memref<8x128xf32, #tpu.memory_space<vmem>>, vector<1x128xf32>,
    %eq3A_291 = arith.constant 4 : i32
    %eq3A_292 = vector.broadcast %eq3A_291 : i32 to vector<256x1xi32>
    %eq3A_293 = arith.cmpi eq, %get3A_104, %eq3A_292 : vector<256x1xi32>
    %jit3A_294 = arith.constant 0xFF800000 : f32
    %broadcast_in_dim3A_295 = vector.shape_cast %eq3A_293 : vector<256x1xi1> to vector<256x1xi1>
    %broadcast_in_dim3A_296 = vector.broadcast %broadcast_in_dim3A_295 : vector<256x1xi1> to vector<256x1024xi1>
    %broadcast_in_dim3A_297 = vector.broadcast %jit3A_294 : f32 to vector<256x1024xf32>
    %select_n3A_298 = arith.select %broadcast_in_dim3A_296, %add3A_99, %broadcast_in_dim3A_297 : vector<256x1024xi1>, vector<256x1024xf32>
    %reduce_max3A_299 = arith.constant dense<0xFF800000> : vector<1024xf32>
    %reduce_max3A_300 = vector.multi_reduction <maximumf>, %select_n3A_298, %reduce_max3A_299 [0] : vector<256x1024xf32> to vector<1024xf32>
    %broadcast_in_dim3A_301 = vector.shape_cast %reduce_max3A_300 : vector<1024xf32> to vector<1x1024xf32>
    %jit3A_302 = arith.constant 0.000000e+00 : f32
    %broadcast_in_dim3A_303 = vector.shape_cast %eq3A_293 : vector<256x1xi1> to vector<256x1xi1>
    %broadcast_in_dim3A_304 = vector.broadcast %broadcast_in_dim3A_303 : vector<256x1xi1> to vector<256x1024xi1>
    %broadcast_in_dim3A_305 = vector.broadcast %jit3A_302 : f32 to vector<256x1024xf32>
    %select_n3A_306 = arith.select %broadcast_in_dim3A_304, %add3A_99, %broadcast_in_dim3A_305 : vector<256x1024xi1>, vector<256x1024xf32>
    %reduce_sum3A_307 = arith.constant dense<0.000000e+00> : vector<1024xf32>
    %reduce_sum3A_308 = vector.multi_reduction <add>, %select_n3A_306, %reduce_sum3A_307 [0] : vector<256x1024xf32> to vector<1024xf32>
    %broadcast_in_dim3A_309 = vector.shape_cast %reduce_sum3A_308 : vector<1024xf32> to vector<1x1024xf32>
    %convert_element_type3A_310 = arith.extui %eq3A_293 : vector<256x1xi1> to vector<256x1xi32>
    %convert_element_type3A_311 = arith.sitofp %convert_element_type3A_310 : vector<256x1xi32> to vector<256x1xf32>
    %reduce_sum3A_312 = vector.shape_cast %convert_element_type3A_311 : vector<256x1xf32> to vector<1x256x1xf32>
    %reduce_sum3A_313 = arith.constant dense<0.000000e+00> : vector<1xf32>
    %reduce_sum3A_314 = vector.multi_reduction <add>, %reduce_sum3A_312, %reduce_sum3A_313 [1, 2] : vector<1x256x1xf32> to vector<1xf32>
    %reduce_sum3A_315 = vector.shape_cast %reduce_sum3A_314 : vector<1xf32> to vector<1x1x1xf32>
    %reduce_sum3A_316 = vector.extract %reduce_sum3A_315[0, 0, 0] : f32 from vector<1x1x1xf32>
    %get3A_317 = arith.constant 4 : index
    %get3A_318 = arith.constant 0 : index
    %get3A_319 = vector.load %arg10[%get3A_317, %get3A_318] : memref<8x1024xf32, #tpu.memory_space<vmem>>, vector<1x1024xf32>
    %max3A_320 = arith.maximumf %get3A_319, %broadcast_in_dim3A_301 : vector<1x1024xf32>
    %swap3A_321 = arith.constant 4 : index
    %swap3A_322 = arith.constant 0 : index
    %swap3A_323 = vector.load %arg10[%swap3A_321, %swap3A_322] : memref<8x1024xf32, #tpu.memory_space<vmem>>, vector<1x1024xf32>
    tpu.vector_store %arg10[%swap3A_321, %swap3A_322], %max3A_320 {strides = array<i32>} : memref<8x1024xf32, #tpu.memory_space<vmem>>, vector<1x1024xf32>,
    %get3A_324 = arith.constant 4 : index
    %get3A_325 = arith.constant 0 : index
    %get3A_326 = vector.load %arg11[%get3A_324, %get3A_325] : memref<8x1024xf32, #tpu.memory_space<vmem>>, vector<1x1024xf32>
    %add3A_327 = arith.addf %get3A_326, %broadcast_in_dim3A_309 : vector<1x1024xf32>
    %swap3A_328 = arith.constant 4 : index
    %swap3A_329 = arith.constant 0 : index
    %swap3A_330 = vector.load %arg11[%swap3A_328, %swap3A_329] : memref<8x1024xf32, #tpu.memory_space<vmem>>, vector<1x1024xf32>
    tpu.vector_store %arg11[%swap3A_328, %swap3A_329], %add3A_327 {strides = array<i32>} : memref<8x1024xf32, #tpu.memory_space<vmem>>, vector<1x1024xf32>,
    %get3A_331 = arith.constant 4 : index
    %get3A_332 = arith.constant 0 : index
    %get3A_333 = vector.load %arg12[%get3A_331, %get3A_332] : memref<8x128xf32, #tpu.memory_space<vmem>>, vector<1x128xf32>
    %add3A_334 = vector.broadcast %reduce_sum3A_316 : f32 to vector<1x128xf32>
    %add3A_335 = arith.addf %get3A_333, %add3A_334 : vector<1x128xf32>
    %swap3A_336 = arith.constant 4 : index
    %swap3A_337 = arith.constant 0 : index
    %swap3A_338 = vector.load %arg12[%swap3A_336, %swap3A_337] : memref<8x128xf32, #tpu.memory_space<vmem>>, vector<1x128xf32>
    tpu.vector_store %arg12[%swap3A_336, %swap3A_337], %add3A_335 {strides = array<i32>} : memref<8x128xf32, #tpu.memory_space<vmem>>, vector<1x128xf32>,
    %eq3A_339 = arith.constant 5 : i32
    %eq3A_340 = vector.broadcast %eq3A_339 : i32 to vector<256x1xi32>
    %eq3A_341 = arith.cmpi eq, %get3A_104, %eq3A_340 : vector<256x1xi32>
    %jit3A_342 = arith.constant 0xFF800000 : f32
    %broadcast_in_dim3A_343 = vector.shape_cast %eq3A_341 : vector<256x1xi1> to vector<256x1xi1>
    %broadcast_in_dim3A_344 = vector.broadcast %broadcast_in_dim3A_343 : vector<256x1xi1> to vector<256x1024xi1>
    %broadcast_in_dim3A_345 = vector.broadcast %jit3A_342 : f32 to vector<256x1024xf32>
    %select_n3A_346 = arith.select %broadcast_in_dim3A_344, %add3A_99, %broadcast_in_dim3A_345 : vector<256x1024xi1>, vector<256x1024xf32>
    %reduce_max3A_347 = arith.constant dense<0xFF800000> : vector<1024xf32>
    %reduce_max3A_348 = vector.multi_reduction <maximumf>, %select_n3A_346, %reduce_max3A_347 [0] : vector<256x1024xf32> to vector<1024xf32>
    %broadcast_in_dim3A_349 = vector.shape_cast %reduce_max3A_348 : vector<1024xf32> to vector<1x1024xf32>
    %jit3A_350 = arith.constant 0.000000e+00 : f32
    %broadcast_in_dim3A_351 = vector.shape_cast %eq3A_341 : vector<256x1xi1> to vector<256x1xi1>
    %broadcast_in_dim3A_352 = vector.broadcast %broadcast_in_dim3A_351 : vector<256x1xi1> to vector<256x1024xi1>
    %broadcast_in_dim3A_353 = vector.broadcast %jit3A_350 : f32 to vector<256x1024xf32>
    %select_n3A_354 = arith.select %broadcast_in_dim3A_352, %add3A_99, %broadcast_in_dim3A_353 : vector<256x1024xi1>, vector<256x1024xf32>
    %reduce_sum3A_355 = arith.constant dense<0.000000e+00> : vector<1024xf32>
    %reduce_sum3A_356 = vector.multi_reduction <add>, %select_n3A_354, %reduce_sum3A_355 [0] : vector<256x1024xf32> to vector<1024xf32>
    %broadcast_in_dim3A_357 = vector.shape_cast %reduce_sum3A_356 : vector<1024xf32> to vector<1x1024xf32>
    %convert_element_type3A_358 = arith.extui %eq3A_341 : vector<256x1xi1> to vector<256x1xi32>
    %convert_element_type3A_359 = arith.sitofp %convert_element_type3A_358 : vector<256x1xi32> to vector<256x1xf32>
    %reduce_sum3A_360 = vector.shape_cast %convert_element_type3A_359 : vector<256x1xf32> to vector<1x256x1xf32>
    %reduce_sum3A_361 = arith.constant dense<0.000000e+00> : vector<1xf32>
    %reduce_sum3A_362 = vector.multi_reduction <add>, %reduce_sum3A_360, %reduce_sum3A_361 [1, 2] : vector<1x256x1xf32> to vector<1xf32>
    %reduce_sum3A_363 = vector.shape_cast %reduce_sum3A_362 : vector<1xf32> to vector<1x1x1xf32>
    %reduce_sum3A_364 = vector.extract %reduce_sum3A_363[0, 0, 0] : f32 from vector<1x1x1xf32>
    %get3A_365 = arith.constant 5 : index
    %get3A_366 = arith.constant 0 : index
    %get3A_367 = vector.load %arg10[%get3A_365, %get3A_366] : memref<8x1024xf32, #tpu.memory_space<vmem>>, vector<1x1024xf32>
    %max3A_368 = arith.maximumf %get3A_367, %broadcast_in_dim3A_349 : vector<1x1024xf32>
    %swap3A_369 = arith.constant 5 : index
    %swap3A_370 = arith.constant 0 : index
    %swap3A_371 = vector.load %arg10[%swap3A_369, %swap3A_370] : memref<8x1024xf32, #tpu.memory_space<vmem>>, vector<1x1024xf32>
    tpu.vector_store %arg10[%swap3A_369, %swap3A_370], %max3A_368 {strides = array<i32>} : memref<8x1024xf32, #tpu.memory_space<vmem>>, vector<1x1024xf32>,
    %get3A_372 = arith.constant 5 : index
    %get3A_373 = arith.constant 0 : index
    %get3A_374 = vector.load %arg11[%get3A_372, %get3A_373] : memref<8x1024xf32, #tpu.memory_space<vmem>>, vector<1x1024xf32>
    %add3A_375 = arith.addf %get3A_374, %broadcast_in_dim3A_357 : vector<1x1024xf32>
    %swap3A_376 = arith.constant 5 : index
    %swap3A_377 = arith.constant 0 : index
    %swap3A_378 = vector.load %arg11[%swap3A_376, %swap3A_377] : memref<8x1024xf32, #tpu.memory_space<vmem>>, vector<1x1024xf32>
    tpu.vector_store %arg11[%swap3A_376, %swap3A_377], %add3A_375 {strides = array<i32>} : memref<8x1024xf32, #tpu.memory_space<vmem>>, vector<1x1024xf32>,
    %get3A_379 = arith.constant 5 : index
    %get3A_380 = arith.constant 0 : index
    %get3A_381 = vector.load %arg12[%get3A_379, %get3A_380] : memref<8x128xf32, #tpu.memory_space<vmem>>, vector<1x128xf32>
    %add3A_382 = vector.broadcast %reduce_sum3A_364 : f32 to vector<1x128xf32>
    %add3A_383 = arith.addf %get3A_381, %add3A_382 : vector<1x128xf32>
    %swap3A_384 = arith.constant 5 : index
    %swap3A_385 = arith.constant 0 : index
    %swap3A_386 = vector.load %arg12[%swap3A_384, %swap3A_385] : memref<8x128xf32, #tpu.memory_space<vmem>>, vector<1x128xf32>
    tpu.vector_store %arg12[%swap3A_384, %swap3A_385], %add3A_383 {strides = array<i32>} : memref<8x128xf32, #tpu.memory_space<vmem>>, vector<1x128xf32>,
    %eq3A_387 = arith.constant 6 : i32
    %eq3A_388 = vector.broadcast %eq3A_387 : i32 to vector<256x1xi32>
    %eq3A_389 = arith.cmpi eq, %get3A_104, %eq3A_388 : vector<256x1xi32>
    %jit3A_390 = arith.constant 0xFF800000 : f32
    %broadcast_in_dim3A_391 = vector.shape_cast %eq3A_389 : vector<256x1xi1> to vector<256x1xi1>
    %broadcast_in_dim3A_392 = vector.broadcast %broadcast_in_dim3A_391 : vector<256x1xi1> to vector<256x1024xi1>
    %broadcast_in_dim3A_393 = vector.broadcast %jit3A_390 : f32 to vector<256x1024xf32>
    %select_n3A_394 = arith.select %broadcast_in_dim3A_392, %add3A_99, %broadcast_in_dim3A_393 : vector<256x1024xi1>, vector<256x1024xf32>
    %reduce_max3A_395 = arith.constant dense<0xFF800000> : vector<1024xf32>
    %reduce_max3A_396 = vector.multi_reduction <maximumf>, %select_n3A_394, %reduce_max3A_395 [0] : vector<256x1024xf32> to vector<1024xf32>
    %broadcast_in_dim3A_397 = vector.shape_cast %reduce_max3A_396 : vector<1024xf32> to vector<1x1024xf32>
    %jit3A_398 = arith.constant 0.000000e+00 : f32
    %broadcast_in_dim3A_399 = vector.shape_cast %eq3A_389 : vector<256x1xi1> to vector<256x1xi1>
    %broadcast_in_dim3A_400 = vector.broadcast %broadcast_in_dim3A_399 : vector<256x1xi1> to vector<256x1024xi1>
    %broadcast_in_dim3A_401 = vector.broadcast %jit3A_398 : f32 to vector<256x1024xf32>
    %select_n3A_402 = arith.select %broadcast_in_dim3A_400, %add3A_99, %broadcast_in_dim3A_401 : vector<256x1024xi1>, vector<256x1024xf32>
    %reduce_sum3A_403 = arith.constant dense<0.000000e+00> : vector<1024xf32>
    %reduce_sum3A_404 = vector.multi_reduction <add>, %select_n3A_402, %reduce_sum3A_403 [0] : vector<256x1024xf32> to vector<1024xf32>
    %broadcast_in_dim3A_405 = vector.shape_cast %reduce_sum3A_404 : vector<1024xf32> to vector<1x1024xf32>
    %convert_element_type3A_406 = arith.extui %eq3A_389 : vector<256x1xi1> to vector<256x1xi32>
    %convert_element_type3A_407 = arith.sitofp %convert_element_type3A_406 : vector<256x1xi32> to vector<256x1xf32>
    %reduce_sum3A_408 = vector.shape_cast %convert_element_type3A_407 : vector<256x1xf32> to vector<1x256x1xf32>
    %reduce_sum3A_409 = arith.constant dense<0.000000e+00> : vector<1xf32>
    %reduce_sum3A_410 = vector.multi_reduction <add>, %reduce_sum3A_408, %reduce_sum3A_409 [1, 2] : vector<1x256x1xf32> to vector<1xf32>
    %reduce_sum3A_411 = vector.shape_cast %reduce_sum3A_410 : vector<1xf32> to vector<1x1x1xf32>
    %reduce_sum3A_412 = vector.extract %reduce_sum3A_411[0, 0, 0] : f32 from vector<1x1x1xf32>
    %get3A_413 = arith.constant 6 : index
    %get3A_414 = arith.constant 0 : index
    %get3A_415 = vector.load %arg10[%get3A_413, %get3A_414] : memref<8x1024xf32, #tpu.memory_space<vmem>>, vector<1x1024xf32>
    %max3A_416 = arith.maximumf %get3A_415, %broadcast_in_dim3A_397 : vector<1x1024xf32>
    %swap3A_417 = arith.constant 6 : index
    %swap3A_418 = arith.constant 0 : index
    %swap3A_419 = vector.load %arg10[%swap3A_417, %swap3A_418] : memref<8x1024xf32, #tpu.memory_space<vmem>>, vector<1x1024xf32>
    tpu.vector_store %arg10[%swap3A_417, %swap3A_418], %max3A_416 {strides = array<i32>} : memref<8x1024xf32, #tpu.memory_space<vmem>>, vector<1x1024xf32>,
    %get3A_420 = arith.constant 6 : index
    %get3A_421 = arith.constant 0 : index
    %get3A_422 = vector.load %arg11[%get3A_420, %get3A_421] : memref<8x1024xf32, #tpu.memory_space<vmem>>, vector<1x1024xf32>
    %add3A_423 = arith.addf %get3A_422, %broadcast_in_dim3A_405 : vector<1x1024xf32>
    %swap3A_424 = arith.constant 6 : index
    %swap3A_425 = arith.constant 0 : index
    %swap3A_426 = vector.load %arg11[%swap3A_424, %swap3A_425] : memref<8x1024xf32, #tpu.memory_space<vmem>>, vector<1x1024xf32>
    tpu.vector_store %arg11[%swap3A_424, %swap3A_425], %add3A_423 {strides = array<i32>} : memref<8x1024xf32, #tpu.memory_space<vmem>>, vector<1x1024xf32>,
    %get3A_427 = arith.constant 6 : index
    %get3A_428 = arith.constant 0 : index
    %get3A_429 = vector.load %arg12[%get3A_427, %get3A_428] : memref<8x128xf32, #tpu.memory_space<vmem>>, vector<1x128xf32>
    %add3A_430 = vector.broadcast %reduce_sum3A_412 : f32 to vector<1x128xf32>
    %add3A_431 = arith.addf %get3A_429, %add3A_430 : vector<1x128xf32>
    %swap3A_432 = arith.constant 6 : index
    %swap3A_433 = arith.constant 0 : index
    %swap3A_434 = vector.load %arg12[%swap3A_432, %swap3A_433] : memref<8x128xf32, #tpu.memory_space<vmem>>, vector<1x128xf32>
    tpu.vector_store %arg12[%swap3A_432, %swap3A_433], %add3A_431 {strides = array<i32>} : memref<8x128xf32, #tpu.memory_space<vmem>>, vector<1x128xf32>,
    %eq3A_435 = arith.constant 7 : i32
    %eq3A_436 = vector.broadcast %eq3A_435 : i32 to vector<256x1xi32>
    %eq3A_437 = arith.cmpi eq, %get3A_104, %eq3A_436 : vector<256x1xi32>
    %jit3A_438 = arith.constant 0xFF800000 : f32
    %broadcast_in_dim3A_439 = vector.shape_cast %eq3A_437 : vector<256x1xi1> to vector<256x1xi1>
    %broadcast_in_dim3A_440 = vector.broadcast %broadcast_in_dim3A_439 : vector<256x1xi1> to vector<256x1024xi1>
    %broadcast_in_dim3A_441 = vector.broadcast %jit3A_438 : f32 to vector<256x1024xf32>
    %select_n3A_442 = arith.select %broadcast_in_dim3A_440, %add3A_99, %broadcast_in_dim3A_441 : vector<256x1024xi1>, vector<256x1024xf32>
    %reduce_max3A_443 = arith.constant dense<0xFF800000> : vector<1024xf32>
    %reduce_max3A_444 = vector.multi_reduction <maximumf>, %select_n3A_442, %reduce_max3A_443 [0] : vector<256x1024xf32> to vector<1024xf32>
    %broadcast_in_dim3A_445 = vector.shape_cast %reduce_max3A_444 : vector<1024xf32> to vector<1x1024xf32>
    %jit3A_446 = arith.constant 0.000000e+00 : f32
    %broadcast_in_dim3A_447 = vector.shape_cast %eq3A_437 : vector<256x1xi1> to vector<256x1xi1>
    %broadcast_in_dim3A_448 = vector.broadcast %broadcast_in_dim3A_447 : vector<256x1xi1> to vector<256x1024xi1>
    %broadcast_in_dim3A_449 = vector.broadcast %jit3A_446 : f32 to vector<256x1024xf32>
    %select_n3A_450 = arith.select %broadcast_in_dim3A_448, %add3A_99, %broadcast_in_dim3A_449 : vector<256x1024xi1>, vector<256x1024xf32>
    %reduce_sum3A_451 = arith.constant dense<0.000000e+00> : vector<1024xf32>
    %reduce_sum3A_452 = vector.multi_reduction <add>, %select_n3A_450, %reduce_sum3A_451 [0] : vector<256x1024xf32> to vector<1024xf32>
    %broadcast_in_dim3A_453 = vector.shape_cast %reduce_sum3A_452 : vector<1024xf32> to vector<1x1024xf32>
    %convert_element_type3A_454 = arith.extui %eq3A_437 : vector<256x1xi1> to vector<256x1xi32>
    %convert_element_type3A_455 = arith.sitofp %convert_element_type3A_454 : vector<256x1xi32> to vector<256x1xf32>
    %reduce_sum3A_456 = vector.shape_cast %convert_element_type3A_455 : vector<256x1xf32> to vector<1x256x1xf32>
    %reduce_sum3A_457 = arith.constant dense<0.000000e+00> : vector<1xf32>
    %reduce_sum3A_458 = vector.multi_reduction <add>, %reduce_sum3A_456, %reduce_sum3A_457 [1, 2] : vector<1x256x1xf32> to vector<1xf32>
    %reduce_sum3A_459 = vector.shape_cast %reduce_sum3A_458 : vector<1xf32> to vector<1x1x1xf32>
    %reduce_sum3A_460 = vector.extract %reduce_sum3A_459[0, 0, 0] : f32 from vector<1x1x1xf32>
    %get3A_461 = arith.constant 7 : index
    %get3A_462 = arith.constant 0 : index
    %get3A_463 = vector.load %arg10[%get3A_461, %get3A_462] : memref<8x1024xf32, #tpu.memory_space<vmem>>, vector<1x1024xf32>
    %max3A_464 = arith.maximumf %get3A_463, %broadcast_in_dim3A_445 : vector<1x1024xf32>
    %swap3A_465 = arith.constant 7 : index
    %swap3A_466 = arith.constant 0 : index
    %swap3A_467 = vector.load %arg10[%swap3A_465, %swap3A_466] : memref<8x1024xf32, #tpu.memory_space<vmem>>, vector<1x1024xf32>
    tpu.vector_store %arg10[%swap3A_465, %swap3A_466], %max3A_464 {strides = array<i32>} : memref<8x1024xf32, #tpu.memory_space<vmem>>, vector<1x1024xf32>,
    %get3A_468 = arith.constant 7 : index
    %get3A_469 = arith.constant 0 : index
    %get3A_470 = vector.load %arg11[%get3A_468, %get3A_469] : memref<8x1024xf32, #tpu.memory_space<vmem>>, vector<1x1024xf32>
    %add3A_471 = arith.addf %get3A_470, %broadcast_in_dim3A_453 : vector<1x1024xf32>
    %swap3A_472 = arith.constant 7 : index
    %swap3A_473 = arith.constant 0 : index
    %swap3A_474 = vector.load %arg11[%swap3A_472, %swap3A_473] : memref<8x1024xf32, #tpu.memory_space<vmem>>, vector<1x1024xf32>
    tpu.vector_store %arg11[%swap3A_472, %swap3A_473], %add3A_471 {strides = array<i32>} : memref<8x1024xf32, #tpu.memory_space<vmem>>, vector<1x1024xf32>,
    %get3A_475 = arith.constant 7 : index
    %get3A_476 = arith.constant 0 : index
    %get3A_477 = vector.load %arg12[%get3A_475, %get3A_476] : memref<8x128xf32, #tpu.memory_space<vmem>>, vector<1x128xf32>
    %add3A_478 = vector.broadcast %reduce_sum3A_460 : f32 to vector<1x128xf32>
    %add3A_479 = arith.addf %get3A_477, %add3A_478 : vector<1x128xf32>
    %swap3A_480 = arith.constant 7 : index
    %swap3A_481 = arith.constant 0 : index
    %swap3A_482 = vector.load %arg12[%swap3A_480, %swap3A_481] : memref<8x128xf32, #tpu.memory_space<vmem>>, vector<1x128xf32>
    tpu.vector_store %arg12[%swap3A_480, %swap3A_481], %add3A_479 {strides = array<i32>} : memref<8x128xf32, #tpu.memory_space<vmem>>, vector<1x128xf32>,
    return
  }
  func.func @transform_0(%arg0: i32) -> (i32, i32, i32) {
    %c0_i32 = arith.constant 0 : i32
    %c0_i32_0 = arith.constant 0 : i32
    %c0_i32_1 = arith.constant 0 : i32
    return %c0_i32, %arg0, %c0_i32_0 : i32, i32, i32
  }
  func.func @transform_1(%arg0: i32) -> (i32, i32) {
    %c0_i32 = arith.constant 0 : i32
    %c0_i32_0 = arith.constant 0 : i32
    return %arg0, %c0_i32 : i32, i32
  }
  func.func @transform_2(%arg0: i32) -> (i32, i32) {
    %c0_i32 = arith.constant 0 : i32
    %c0_i32_0 = arith.constant 0 : i32
    return %arg0, %c0_i32 : i32, i32
  }
  func.func @transform_3(%arg0: i32) -> (i32, i32) {
    %c0_i32 = arith.constant 0 : i32
    %c0_i32_0 = arith.constant 0 : i32
    %c0_i32_1 = arith.constant 0 : i32
    return %c0_i32, %c0_i32_0 : i32, i32
  }
  func.func @transform_4(%arg0: i32) -> (i32, i32) {
    %c0_i32 = arith.constant 0 : i32
    %c0_i32_0 = arith.constant 0 : i32
    %c0_i32_1 = arith.constant 0 : i32
    return %c0_i32, %c0_i32_0 : i32, i32
  }
  func.func @transform_5(%arg0: i32) -> (i32, i32) {
    %c0_i32 = arith.constant 0 : i32
    %c0_i32_0 = arith.constant 0 : i32
    %c0_i32_1 = arith.constant 0 : i32
    return %c0_i32, %c0_i32_0 : i32, i32
  }
  func.func @transform_6(%arg0: i32) -> (i32, i32) {
    %c0_i32 = arith.constant 0 : i32
    %c0_i32_0 = arith.constant 0 : i32
    %c0_i32_1 = arith.constant 0 : i32
    return %c0_i32, %c0_i32_0 : i32, i32
  }
  func.func @transform_7(%arg0: i32) -> (i32, i32) {
    %c0_i32 = arith.constant 0 : i32
    %c0_i32_0 = arith.constant 0 : i32
    %c0_i32_1 = arith.constant 0 : i32
    return %c0_i32, %c0_i32_0 : i32, i32
  }
  func.func @transform_8(%arg0: i32) -> (i32, i32) {
    %c0_i32 = arith.constant 0 : i32
    %c0_i32_0 = arith.constant 0 : i32
    %c0_i32_1 = arith.constant 0 : i32
    return %c0_i32, %c0_i32_0 : i32, i32
  }
  func.func @transform_9(%arg0: i32) -> (i32, i32) {
    %c0_i32 = arith.constant 0 : i32
    %c0_i32_0 = arith.constant 0 : i32
    %c0_i32_1 = arith.constant 0 : i32
    return %c0_i32, %c0_i32_0 : i32, i32
  }
  func.func @transform_10(%arg0: i32) -> (i32, i32) {
    %c0_i32 = arith.constant 0 : i32
    %c0_i32_0 = arith.constant 0 : i32
    %c0_i32_1 = arith.constant 0 : i32
    return %c0_i32, %c0_i32_0 : i32, i32
  }
  func.func @transform_11(%arg0: i32) -> (i32, i32) {
    %c0_i32 = arith.constant 0 : i32
    %c0_i32_0 = arith.constant 0 : i32
    %c0_i32_1 = arith.constant 0 : i32
    return %c0_i32, %c0_i32_0 : i32, i32
  }
}

module attributes {stable_mosaic.version = 14 : i64} {
  func.func @_head_kernel(%arg0: memref<8x1024xf32, #tpu.memory_space<vmem>>, %arg1: memref<8x1024xf32, #tpu.memory_space<vmem>>, %arg2: memref<8x128xf32, #tpu.memory_space<vmem>>, %arg3: memref<32768x40xf32, #tpu.memory_space<vmem>>, %arg4: memref<1x40xf32, #tpu.memory_space<vmem>>, %arg5: memref<8x40xf32, #tpu.memory_space<vmem>>) attributes {dimension_semantics = [], scalar_prefetch = 0 : i64, scratch_operands = 0 : i64, tpu.core_type = #tpu.core_type<tc>} {
    %get3A = arith.constant 0 : index
    %get3A_0 = arith.constant 0 : index
    %get3A_1 = vector.load %arg2[%get3A, %get3A_0] : memref<8x128xf32, #tpu.memory_space<vmem>>, vector<8x1xf32>
    %get3A_2 = arith.constant 0 : index
    %get3A_3 = arith.constant 0 : index
    %get3A_4 = vector.load %arg1[%get3A_2, %get3A_3] : memref<8x1024xf32, #tpu.memory_space<vmem>>, vector<8x1024xf32>
    %max3A = arith.constant 1.000000e+00 : f32
    %max3A_5 = vector.broadcast %max3A : f32 to vector<8x1xf32>
    %max3A_6 = arith.maximumf %get3A_1, %max3A_5 : vector<8x1xf32>
    %div3A = vector.broadcast %max3A_6 : vector<8x1xf32> to vector<8x1024xf32>
    %div3A_7 = arith.divf %get3A_4, %div3A : vector<8x1024xf32>
    %get3A_8 = arith.constant 0 : index
    %get3A_9 = arith.constant 0 : index
    %get3A_10 = vector.load %arg0[%get3A_8, %get3A_9] : memref<8x1024xf32, #tpu.memory_space<vmem>>, vector<8x1024xf32>
    %concatenate3A = tpu.concatenate %get3A_10, %div3A_7 in 1 : vector<8x1024xf32>, vector<8x1024xf32> -> vector<8x2048xf32>
    %mul3A = arith.constant 1.000000e+00 : f32
    %mul3A_11 = vector.broadcast %mul3A : f32 to vector<8x2048xf32>
    %mul3A_12 = arith.mulf %concatenate3A, %mul3A_11 : vector<8x2048xf32>
    %mul3A_13 = arith.constant 2.000000e+00 : f32
    %mul3A_14 = vector.broadcast %mul3A_13 : f32 to vector<8x2048xf32>
    %mul3A_15 = arith.mulf %concatenate3A, %mul3A_14 : vector<8x2048xf32>
    %mul3A_16 = arith.constant 3.000000e+00 : f32
    %mul3A_17 = vector.broadcast %mul3A_16 : f32 to vector<8x2048xf32>
    %mul3A_18 = arith.mulf %concatenate3A, %mul3A_17 : vector<8x2048xf32>
    %mul3A_19 = arith.constant 4.000000e+00 : f32
    %mul3A_20 = vector.broadcast %mul3A_19 : f32 to vector<8x2048xf32>
    %mul3A_21 = arith.mulf %concatenate3A, %mul3A_20 : vector<8x2048xf32>
    %mul3A_22 = arith.constant 5.000000e+00 : f32
    %mul3A_23 = vector.broadcast %mul3A_22 : f32 to vector<8x2048xf32>
    %mul3A_24 = arith.mulf %concatenate3A, %mul3A_23 : vector<8x2048xf32>
    %mul3A_25 = arith.constant 6.000000e+00 : f32
    %mul3A_26 = vector.broadcast %mul3A_25 : f32 to vector<8x2048xf32>
    %mul3A_27 = arith.mulf %concatenate3A, %mul3A_26 : vector<8x2048xf32>
    %mul3A_28 = arith.constant 7.000000e+00 : f32
    %mul3A_29 = vector.broadcast %mul3A_28 : f32 to vector<8x2048xf32>
    %mul3A_30 = arith.mulf %concatenate3A, %mul3A_29 : vector<8x2048xf32>
    %mul3A_31 = arith.constant 8.000000e+00 : f32
    %mul3A_32 = vector.broadcast %mul3A_31 : f32 to vector<8x2048xf32>
    %mul3A_33 = arith.mulf %concatenate3A, %mul3A_32 : vector<8x2048xf32>
    %concatenate3A_34 = tpu.concatenate %mul3A_12, %mul3A_15, %mul3A_18, %mul3A_21, %mul3A_24, %mul3A_27, %mul3A_30, %mul3A_33 in 1 : vector<8x2048xf32>, vector<8x2048xf32>, vector<8x2048xf32>, vector<8x2048xf32>, vector<8x2048xf32>, vector<8x2048xf32>, vector<8x2048xf32>, vector<8x2048xf32> -> vector<8x16384xf32>
    %cos3A = math.cos %concatenate3A_34 : vector<8x16384xf32>
    %sin3A = math.sin %concatenate3A_34 : vector<8x16384xf32>
    %concatenate3A_35 = tpu.concatenate %cos3A, %sin3A in 1 : vector<8x16384xf32>, vector<8x16384xf32> -> vector<8x32768xf32>
    %get3A_36 = arith.constant 0 : index
    %get3A_37 = arith.constant 0 : index
    %get3A_38 = vector.load %arg3[%get3A_36, %get3A_37] : memref<32768x40xf32, #tpu.memory_space<vmem>>, vector<32768x40xf32>
    %dot_general3A = arith.constant dense<0.000000e+00> : vector<8x40xf32>
    %dot_general3A_39 = tpu.matmul %concatenate3A_35, %get3A_38, %dot_general3A {dimension_numbers = #tpu.dot_dimension_numbers<[1], [0], [0], [1], [0, 0, 1, 1], [], []>, transpose_lhs_hint = false} : vector<8x32768xf32>, vector<32768x40xf32>, vector<8x40xf32> -> vector<8x40xf32>
    %get3A_40 = arith.constant 0 : index
    %get3A_41 = arith.constant 0 : index
    %get3A_42 = vector.load %arg4[%get3A_40, %get3A_41] : memref<1x40xf32, #tpu.memory_space<vmem>>, vector<1x40xf32>
    %add3A = vector.broadcast %get3A_42 : vector<1x40xf32> to vector<8x40xf32>
    %add3A_43 = arith.addf %dot_general3A_39, %add3A : vector<8x40xf32>
    %swap3A = arith.constant 0 : index
    %swap3A_44 = arith.constant 0 : index
    %swap3A_45 = vector.load %arg5[%swap3A, %swap3A_44] : memref<8x40xf32, #tpu.memory_space<vmem>>, vector<8x40xf32>
    tpu.vector_store %arg5[%swap3A, %swap3A_44], %add3A_43 {strides = array<i32>} : memref<8x40xf32, #tpu.memory_space<vmem>>, vector<8x40xf32>,
    return
  }
}

</mosaic_0001>

<sc_bundles>
// kernel: gather_offload_async_start
scs
__scs_entry_jumppad:
0x0: {  	(pc) =	sbr.rel $0x88, $3  }
0x1: {  	(tag) =	ssettag $0x0;
	lr =	simm.s32 $0x1  }
0x2: {  	[smem:$0x3F97] =	sst lr;
	_ =	strace $0xD0000000  }
0x3: {  	_ = 	snop  }
0x4: {  	_ = 	snop  }
0x5: {  	_ = 	snop  }
0x6: {  	_ = 	snop  }
0x7: {  	_ = 	snop  }
__scs_overlays_trampoline_lowered:
0x8: {  	[smem:$0x3FA6] =	sst s0  }
0x9: {  	[smem:$0x3FA7] =	sst s1  }
0xa: {  	[smem:$0x3FA8] =	sst s2  }
0xb: {  	[smem:$0x3FA9] =	sst s3  }
0xc: {  	[smem:$0x3FAA] =	sst s4  }
0xd: {  	[smem:$0x3FAB] =	sst s5  }
0xe: {  	[smem:$0x3FAC] =	sst s6  }
0xf: {  	[smem:$0x3FAD] =	sst s7  }
0x10: {  	[smem:$0x3FAE] =	sst s8  }
0x11: {  	[smem:$0x3FAF] =	sst s9;
	s0 =	simm.s32 @!p0 $0x0  }
0x12: {  	s1 =	sld [smem:$0x3F95];
	s0 =	simm.s32 @p0 $0x1  }
0x13: {  	[smem:$0x3FB0] =	sst s0;
	s0 =	simm.s32 @!p1 $0x0  }
0x14: {  	s2 =	sld [smem:$0x3F94];
	s0 =	simm.s32 @p1 $0x1  }
0x15: {  	[smem:$0x3FB1] =	sst s0;
	s0 =	simm.s32 @!p2 $0x0  }
0x16: {  	s3 =	sld [smem:$0x3FDB];
	s0 =	simm.s32 @p2 $0x1  }
0x17: {  	s4 =	simm.s32 $0x1BF5;
	[smem:$0x3FB3] =	sst s0  }
0x18: {  	s0 =	sld [smem:$0x3F96];
	_ =	swait.ge [sflag:s4], $0x0  }
0x19: {  	s7 =	sld [smem:$0x3F97]  }
0x1a: {  	s8 =	sadd.s32 $0xFFFFE003, lr  }
0x1b: {  	s9 =	sadd.s32 $0xFFFFFEF7, lr;
	s5 =	simm.s32 $0xFFFFFFFF;
	p2 =	slt.u32 s8, $0xFFFFF086  }
0x1c: {  	p1 =	slt.u32 s9, $0xF7A;
	s5 =	simm.s32 @!p2 $0x0  }
0x1d: {  	s5 =	simm.s32 @p1 $0x1;
	p0 =	seq.s32 s7, s2  }
0x1e: {  	s7 =	smul.u32 @!p0 $0xF7A, s2;
	p2 =	seq.s32 @!p0 s5, $0x0  }
0x1f: {  	s9 =	smul.u32 $0xF7A, s1;
	s8 =	simm.s32 @!p0 $0x1BF5;
	p2 =	por !p2, p0  }
0x20: {  	[sflag:s8] =	ssyncset.s32 @!p0 $0xFFFFF086;
	s6 =	sadd.s32 @!p0 s3, s7;
	s7 =	simm.s32 @!p0 $0x108  }
0x21: {  	s3 =	sadd.s32 s3, s9;
	s6 =	sadd.s32 @!p0 $0x88, s6;
	s7 =	simm.s32 @p2 $0x1082  }
0x22: {  	[simem:s7], [sflag:s8] =	dma.local @!p0 [hbm:s6], $0xF7A  }
0x23: {  	s9 =	sor.u32 $0xD0000000, s2;
	s6 =	simm.s32 $0x108;
	_ =	swait.ge @!p0 [sflag:s8], $0x0  }
0x24: {  	s3 =	sadd.s32 $0x88, s3;
	s6 =	simm.s32 @!p1 $0x1082;
	[sflag:s4] =	ssyncset.s32 $0xFFFFF086  }
0x25: {  	[simem:s6], [sflag:s4] =	dma.local [hbm:s3], $0xF7A  }
0x26: {  	[smem:$0x3F97] =	sst s1;
	(tag) =	ssettag s2;
	_ =	strace s9  }
0x27: {  	s1 =	sld [smem:$0x3FA7]  }
0x28: {  	s2 =	sld [smem:$0x3FA8]  }
0x29: {  	s4 =	sld [smem:$0x3FAA]  }
0x2a: {  	p0 =	seq.s32 s5, $0x0;
	s5 =	sld [smem:$0x3FAB]  }
0x2b: {  	s6 =	sld [smem:$0x3FAC]  }
0x2c: {  	s7 =	sld [smem:$0x3FAD]  }
0x2d: {  	s3 =	simm.s32 $0x108;
	s8 =	sld [smem:$0x3FAE]  }
0x2e: {  	s3 =	simm.s32 @!p0 $0x1082;
	s9 =	sld [smem:$0x3FAF]  }
0x2f: {  	lr =	sadd.s32 s0, s3;
	s0 =	sld [smem:$0x3FA6]  }
0x30: {  	s3 =	sld [smem:$0x3FA9]  }
0x31: {  	[smem:$0x3FB2] =	sst s10  }
0x32: {  	s10 =	sld [smem:$0x3FB0];
	_ =	sdelay $0x3  }
0x33: {  	p0 =	seq.s32 s10, $0x1;
	s10 =	sld [smem:$0x3FB2];
	_ =	sdelay $0x3  }
0x34: {  	[smem:$0x3FB2] =	sst s10  }
0x35: {  	s10 =	sld [smem:$0x3FB1];
	_ =	sdelay $0x3  }
0x36: {  	p1 =	seq.s32 s10, $0x1;
	s10 =	sld [smem:$0x3FB2];
	_ =	sdelay $0x3  }
0x37: {  	[smem:$0x3FB2] =	sst s10  }
0x38: {  	s10 =	sld [smem:$0x3FB3]  }
0x39: {  	_ = 	snop;
	(pc) =	sbr.ind lr, $3  }
0x3a: {  	_ = 	snop  }
0x3b: {  	_ = 	snop  }
0x3c: {  	p2 =	seq.s32 s10, $0x1;
	s10 =	sld [smem:$0x3FB2]  }
0x3d: {  	_ =	shalt  }
0x3e: {  	_ =	shalt  }
0x3f: {  	_ =	shalt  }
0x40: {  	_ =	shalt  }
0x41: {  	_ =	shalt  }
0x42: {  	_ =	shalt  }
0x43: {  	_ =	shalt  }
0x44: {  	_ =	shalt  }
0x45: {  	_ =	shalt  }
0x46: {  	_ =	shalt  }
0x47: {  	_ =	shalt  }
0x48: {  	_ =	shalt  }
0x49: {  	_ =	shalt  }
0x4a: {  	_ =	shalt  }
0x4b: {  	_ =	shalt  }
0x4c: {  	_ =	shalt  }
0x4d: {  	_ =	shalt  }
0x4e: {  	_ =	shalt  }
0x4f: {  	_ =	shalt  }
0x50: {  	_ =	shalt  }
0x51: {  	_ =	shalt  }
0x52: {  	_ =	shalt  }
0x53: {  	_ =	shalt  }
0x54: {  	_ =	shalt  }
0x55: {  	_ =	shalt  }
0x56: {  	_ =	shalt  }
0x57: {  	_ =	shalt  }
0x58: {  	_ =	shalt  }
0x59: {  	_ =	shalt  }
0x5a: {  	_ =	shalt  }
0x5b: {  	_ =	shalt  }
0x5c: {  	_ =	shalt  }
0x5d: {  	_ =	shalt  }
0x5e: {  	_ =	shalt  }
0x5f: {  	_ =	shalt  }
0x60: {  	_ =	shalt  }
0x61: {  	_ =	shalt  }
0x62: {  	_ =	shalt  }
0x63: {  	_ =	shalt  }
0x64: {  	_ =	shalt  }
0x65: {  	_ =	shalt  }
0x66: {  	_ =	shalt  }
0x67: {  	_ =	shalt  }
0x68: {  	_ =	shalt  }
0x69: {  	_ =	shalt  }
0x6a: {  	_ =	shalt  }
0x6b: {  	_ =	shalt  }
0x6c: {  	_ =	shalt  }
0x6d: {  	_ =	shalt  }
0x6e: {  	_ =	shalt  }
0x6f: {  	_ =	shalt  }
0x70: {  	_ =	shalt  }
0x71: {  	_ =	shalt  }
0x72: {  	_ =	shalt  }
0x73: {  	_ =	shalt  }
0x74: {  	_ =	shalt  }
0x75: {  	_ =	shalt  }
0x76: {  	_ =	shalt  }
0x77: {  	_ =	shalt  }
0x78: {  	_ =	shalt  }
0x79: {  	_ =	shalt  }
0x7a: {  	_ =	shalt  }
0x7b: {  	_ =	shalt  }
0x7c: {  	_ =	shalt  }
0x7d: {  	_ =	shalt  }
0x7e: {  	_ =	shalt  }
0x7f: {  	_ =	shalt  }
0x80: {  	_ =	shalt  }
0x81: {  	_ =	shalt  }
0x82: {  	_ =	shalt  }
0x83: {  	_ =	shalt  }
0x84: {  	_ =	shalt  }
0x85: {  	_ =	shalt  }
0x86: {  	_ =	shalt  }
0x87: {  	_ =	shalt  }
.Lfunc_end0:
.L_simem_size_0:
called_computation_lowered:
.L_overlay_start_0:
0x88: {  	s2 =	sld [smem:$0x3FD9]  }
0x89: {  	s3 =	sld [smem:$0x3FFE];
	_ =	sdelay $0x1  }
0x8a: {  	s1 =	srdreg.scid  }
0x8b: {  	s0 =	sand.u32 $0x1, s1  }
0x8c: {  	s17 =	sshll.u32 s0, $0xA;
	s2 =	sadd.s32 s3, s2  }
0x8d: {  	s2 =	sadd.s32 s2, s17  }
0x8e: {  	[smem:$0x3FBE] =	sst s2  }
0x8f: {  	_ = 	snop  }
0x90: {  	(tm) =	ssettm $0x1  }
0x91: {  	s18 =	sld [smem:$0x3FFB];
	_ =	sdelay $0x3  }
0x92: {  	_ =	strace s18  }
0x93: {  	s2 =	sld [smem:$0x3FFC];
	_ =	sdelay $0x3  }
0x94: {  	_ =	strace s2  }
0x95: {  	s2 =	sld [smem:$0x3FFD];
	_ =	sdelay $0x3  }
0x96: {  	_ =	strace s2  }
0x97: {  	_ =	strace $0x8FFFFFFF  }
0x98: {  	s19 =	sld [smem:$0x3FDB];
	_ =	sdelay $0x1  }
0x99: {  	s20 =	simm.s32 $_scs_section_size  }
0x9a: {  	s4 =	simm.s32 $_size__tile_overlayer_lowered;
	s5 =	simm.s32 $_tile_overlayer_lowered  }
0x9b: {  	s6 =	simm.s32 $0x1BFF;
	s21 =	sshll.u32 s5, $0x1;
	s3 =	sadd.s32 s20, s19  }
0x9c: {  	s22 =	simm.s32 $0x0;
	s4 =	sshll.u32 s4, $0x1;
	s5 =	sadd.s32 s21, s3  }
0x9d: {  	[timem:s22], [sflag:s6] =	dma.local [hbm:s5], s4  }
0x9e: {  	_ =	swait.ge [sflag:s6], s4  }
0x9f: {  	s4 =	ssub.s32 $0x0, s4;
	[sflag:s6] =	ssyncset.done $0x0  }
0xa0: {  	[sflag:s6] =	ssyncadd.s32 s4;
	_ =	sdelay $0x1  }
0xa1: {  	s23 =	simm.s32 $0x1B8B  }
0xa2: {  	_ =	swait.ge [sflag:s23], $0x1  }
0xa3: {  	[sflag:s23] =	ssyncset.done $0x0  }
0xa4: {  	[sflag:s23] =	ssyncadd.s32 $0xFFFFFFFF  }
0xa5: {  	s4 =	sld [smem:$0x0]  }
0xa6: {  	s5 =	sand.u32 $0xFFFFFFFE, s1  }
0xa7: {  	p0 =	sne.s32 s1, s5  }
0xa8: {  	s5 =	sshll.u32 @p0 s5, $0xE  }
0xa9: {  	s5 =	sadd.s32 @p0 $0x11B8D, s5;
	s6 =	sshll.u32 @p0 s4, $0x11  }
0xaa: {  	s5 =	sor.u32 @p0 s6, s5  }
0xab: {  	[sflag:s5] =	ssyncadd.remote.s32 @p0 $0x1;
	_ =	sdelay $0x1  }
0xac: {  	s5 =	simm.s32 @p0 $0x1B8D  }
0xad: {  	_ =	swait.eq @p0 [sflag:s5], $0x1  }
0xae: {  	[sflag:s5] =	ssyncadd.s32 @p0 $0xFFFFFFFF  }
0xaf: {  	s6 =	sshll.u32 @!p0 s1, $0xE  }
0xb0: {  	s6 =	sor.u32 @!p0 $0x4000, s6;
	s5 =	simm.s32 @!p0 $0x1B8D  }
0xb1: {  	s4 =	sshll.u32 @!p0 s4, $0x11;
	s6 =	sadd.s32 @!p0 $0x11B8D, s6;
	_ =	swait.eq @!p0 [sflag:s5], $0x1  }
0xb2: {  	s4 =	sor.u32 @!p0 s4, s6;
	[sflag:s5] =	ssyncadd.s32 @!p0 $0xFFFFFFFF  }
0xb3: {  	s25 =	simm.s32 $0x1B8E;
	s24 =	sld [smem:$0x3FFE];
	[sflag:s4] =	ssyncadd.remote.s32 @!p0 $0x1  }
0xb4: {  	s26 =	simm.s32 $execute0_lowered;
	[smem:$0x3FD2] =	sst s25  }
0xb5: {  	s5 =	sshll.u32 s26, $0x1;
	_ =	strace $0x80000049;
	[dreg:$0x1] =	wrdreg $0xFFFFFFFF  }
0xb6: {  	s28 =	simm.s32 $_size_execute0_lowered;
	s3 =	sadd.s32 s3, s5;
	[dreg:$0x0] =	wrdreg $0x0  }
0xb7: {  	s5 =	sshll.u32 s28, $0x1;
	[dreg:$0x2] =	wrdreg s3  }
0xb8: {  	[dreg:$0x3] =	wrdreg s5  }
0xb9: {  	[dreg:$0x4] =	wrdreg $0xC0  }
0xba: {  	_ =	task [dreg:s22], $0x5FFFF  }
0xbb: {  	[dreg:$0x1] =	wrdreg $0xFFFFFFFF  }
0xbc: {  	[dreg:$0x0] =	wrdreg $0x60  }
0xbd: {  	[dreg:$0x2] =	wrdreg s24  }
0xbe: {  	[dreg:$0x3] =	wrdreg $0x9  }
0xbf: {  	_ =	task.clear_ibuf [dreg:s22], $0x4FFFF;
	_ =	strace $0x90000049  }
0xc0: {  	s29 =	simm.s32 $0x9;
	_ =	strace $0x8000004B  }
0xc1: {  	_ =	swait.ge [sflag:s29], $0x1  }
0xc2: {  	[sflag:s29] =	ssyncadd.s32 $0xFFFFFFFF  }
0xc3: {  	_ =	strace $0x9000004B  }
0xc4: {  	_ =	sfence  }
0xc5: {  	s30 =	sld [smem:$0x0];
	_ =	sdelay $0x2  }
0xc6: {  	s31 =	sshll.u32 s1, $0xD;
	s1 =	sshrl.u32 s1, $0x2  }
0xc7: {  	s4 =	sand.u32 $0x4000, s31;
	s1 =	sadd.s32 s1, s30  }
0xc8: {  	s0 =	sor.u32 s4, s0;
	s1 =	sshll.u32 s1, $0x11  }
0xc9: {  	s0 =	sor.u32 s1, s0  }
0xca: {  	s0 =	sadd.s32 $0x8F2B, s0  }
0xcb: {  	[sflag:s0] =	ssyncadd.remote.s32 $0x1  }
0xcc: {  	_ =	sfence.sel $0xFFFF  }
0xcd: {  	[dreg:$0x0] =	wrdreg $0xFFFFFFFF;
	(pc) =	sbr.abs _section_cstart, $3  }
0xce: {  	[dreg:$0x1] =	wrdreg $0xFFFFFFFF  }
0xcf: {  	_ =	task.clear_ibuf [dreg:s22], $0x2FFFF;
	_ =	strace $0x9FFFFFFF  }
0xd0: {  	(tm) =	ssettm $0x7FFFFFFF  }
0xd1: {  	_ =	shalt  }
tec
execute0_lowered:
.L_overlay_start_1:
0x0: {  	(tag) =	ssettag $0x1  }
0x1: {  	s7 =	rddreg [dreg:$0x0]  }
0x2: {  	s0 =	rddreg [dreg:$0x1];
	_ =	strace $0x8000004A  }
0x3: {  	s1 =	srdreg.scid;
	s4 =	simm.s32 $0x1;
	s9 =	simm.s32 $0x3  }
0x4: {  	s11 =	simm.s32 $0x0;
	p0 =	por $0x0, $0x0;
	s5 =	sshll.u32 s1, $0x4  }
.Ltmp0:
0x5: {  	s1 =	stileid.u32;
	s5 =	sand.u32 $0x10, s5;
	(pc) =	sbr.rel .LBB2_1-.Ltmp0, $4  }
0x6: {  	s2 =	sadd.s32 $0x5CE00, s7;
	s3 =	sadd.s32 $0x5CC00, s7;
	s6 =	sor.u32 s1, s5  }
0x7: {  	[sflag:s4] =	ssyncpa.u1 $0x0;
	s5 =	simm.s32 $0x2;
	s6 =	sshll.u32 s6, $0x6  }
0x8: {  	s7 =	sadd.s32 $0x9CE00, s7;
	[sflag:s5] =	ssyncpa.u1 $0x0;
	s8 =	sadd.s32 $0x40, s6  }
0x9: {  	vm0 =	vmmov $0xff;
	vm1 =	vcmask $0x3F20;
	[sflag:s9] =	ssyncpa.u1 $0x0;
	s10 =	smov.u32 s6;
	s9 =	simm.s32 $0x0  }
.LBB2_9:
0xa: {  	p1 =	slt.u32 s9, $0x2;
	s11 =	sadd.s32 $0x20, s10  }
0xb: {  	s13 =	smov.u32 s6;
	s9 =	sadd.s32 $0x1, s9;
	p2 =	slt.s32 s11, s8  }
0xc: {  	s13 =	smov.u32 @p2 s11;
	p2 =	sne.s32 s9, $0x4  }
.Ltmp1:
0xd: {  	_ = 	snop;
	(pc) =	sbr.rel @!p2 .LBB2_10-.Ltmp1, $4  }
0xe: {  	s12 =	simm.s32 @!p1 $0x3  }
0xf: {  	_ =	swait.ge @!p1 [sflag:s12], $0x8000  }
0x10: {  	p0 =	por !p0, !p0;
	[sflag:s12] =	ssyncset.done @!p1 $0x0  }
0x11: {  	s11 =	smov.u32 s10;
	s10 =	smov.u32 s13;
	[sflag:s12] =	ssyncadd.s32 @!p1 $0xFFFF8000  }
.LBB2_1:
0x12: {  	p1 =	sgt.u32 s9, $0x1  }
0x13: {  	s12 =	sshll.u32 @!p1 s9, $0x5;
	s13 =	sshrl.u32 @!p1 s10, $0x3  }
0x14: {  	s14 =	sand.u32 @!p1 $0x7, s10;
	s12 =	sxor.u32 @!p1 $0x20, s12;
	s13 =	sadd.s32 @!p1 s3, s13  }
0x15: {  	[tilespmem:s12], [sflag:$0x2] =	stream.linear.gather @!p1 [hbm4b:s13+s14], $0x20, $0x38;
	[tilespmem:$0x10040] =	vst v63  }
0x16: {  	p1 =	seq.s32 s9, $0x0  }
0x17: {  	p2 =	seq.s32 @!p1 s9, $0x3  }
0x18: {  	p1 =	por p1, p2  }
.Ltmp2:
0x19: {  	_ = 	snop;
	(pc) =	sbr.rel @p1 .LBB2_9-.Ltmp2, $1  }
0x1a: {  	_ =	sdelay $0x3  }
0x1b: {  	s12 =	simm.s32 $0x1  }
0x1c: {  	_ =	swait.ge [sflag:s5], $0x20;
	s13 =	sand.u32 $0x1, s9;
	s12 =	simm.s32 @!p0 $0x0  }
0x1d: {  	s15 =	simm.s32 $0x0;
	p2 =	por $0x1, $0x1;
	s12 =	sshll.u32 s12, $0x11  }
0x1e: {  	[sflag:s5] =	ssyncset.done $0x0;
	s13 =	sshll.u32 s13, $0x5;
	s14 =	sshrl.u32 s12, $0x2  }
0x1f: {  	[sflag:s5] =	ssyncadd.s32 $0xFFFFFFE0;
	s12 =	sor.u32 $0x40, s14;
	s14 =	sadd.s32 $0x40, s14  }
.LBB2_3:
0x20: {  	s16 =	sshll.u32 s15, $0x4  }
0x21: {  	s16 =	sand.u32 $0x3FFFFFF0, s16  }
0x22: {  	s16 =	sadd.s32 s16, s13  }
0x23: {  	v0 =	vld.msk [tilespmem:s16+$0x0 ss:$0x1], $0xffff;
	_ =	sdelay $0x4  }
0x24: {  	vm2 =	vgt.s32 v0, $0x0  }
0x25: {  	v0 =	vnsel vm2, $0x0, v0  }
0x26: {  	v0 =	vmin.u32 v0, $0x7FF  }
0x27: {  	v1 =	vshll.u32 v0, $0x7;
	v0 =	vshll.u32 v0, $0x4  }
0x28: {  	v1 =	vand.u32 $0x3FC00, v1;
	v0 =	vand.u32 $0x70, v0  }
0x29: {  	v0 =	vor.u32 v0, v1  }
0x2a: {  	s31 =	sshll.u32 s15, $0x10  }
0x2b: {  	s15 =	sshra.s32 s31, $0x2  }
0x2c: {  	s15 =	sadd.s32 s15, s14  }
0x2d: {  	s17 =	sadd.s32 $0x0, s15  }
0x2e: {  	[tilespmem:s17], [sflag:$0x1] =	stream.indirect_vreg.gather [hbm:s2], $0x80, v0, vm0, $0x38;
	[tilespmem:$0x10040] =	vst v63  }
0x2f: {  	p1 =	por p2, p2;
	s16 =	simm.s32 $0x1000;
	v1 =	vadd.s32 $0x80, v0;
	s17 =	sadd.s32 $0x2000, s17  }
.LBB2_4:
0x30: {  	[tilespmem:s17], [sflag:$0x1] =	stream.indirect_vreg.gather [hbm:s2], $0x80, v0, vm1, $0x38;
	[tilespmem:$0x10040] =	vst v63  }
0x31: {  	v0 =	vmov v1;
	s17 =	smov.u32 s16;
	p2 =	sne.s32 s16, $0x7000  }
.Ltmp3:
0x32: {  	s16 =	sadd.s32 $0x1000, s16;
	(pc) =	sbr.rel @p2 .LBB2_4-.Ltmp3, $4  }
0x33: {  	s17 =	sshra.s32 s17, $0x2  }
0x34: {  	s17 =	sadd.s32 s17, s15  }
0x35: {  	[tilespmem:s17], [sflag:$0x1] =	stream.indirect_vreg.gather [hbm:s2], $0x80, v1, vm0, $0x38;
	[tilespmem:$0x10040] =	vst v63  }
0x36: {  	s17 =	sadd.s32 $0x2000, s17;
	v1 =	vadd.s32 $0x80, v1  }
0x37: {  	_ = 	snop  }
.Ltmp4:
0x38: {  	_ = 	snop;
	(pc) =	sbr.rel @p1 .LBB2_3-.Ltmp4, $3  }
0x39: {  	_ =	sdelay $0x1  }
0x3a: {  	[tilespmem:s17], [sflag:$0x1] =	stream.indirect_vreg.gather [hbm:s2], $0x80, v0, vm1, $0x38;
	[tilespmem:$0x10040] =	vst v63  }
0x3b: {  	s15 =	simm.s32 $0x1;
	p2 =	por $0x0, $0x0  }
0x3c: {  	s13 =	sshll.u32 s11, $0x7  }
0x3d: {  	s31 =	sshll.u32 s11, $0x4;
	s13 =	sand.u32 $0xFFFFFC00, s13  }
0x3e: {  	_ =	swait.ge [sflag:s4], $0x8000;
	s11 =	sand.u32 $0x70, s31;
	s13 =	sadd.s32 s13, s7  }
0x3f: {  	s14 =	sadd.s32 $0x2000, s12;
	[sflag:s4] =	ssyncset.done $0x0;
	s11 =	sadd.s32 s11, s13  }
0x40: {  	[sflag:s4] =	ssyncadd.s32 $0xFFFF8000;
	s13 =	simm.s32 $0x400;
	s15 =	sadd.s32 $0x0, s11  }
.LBB2_7:
0x41: {  	[hbm:s15] =	stream.linear.scatter [tilespmem:s12], [sflag:$0x3], $0x2000, $0x38;
	[tilespmem:$0x10040] =	vst v63  }
0x42: {  	s15 =	smov.u32 s13;
	s12 =	smov.u32 s14;
	p1 =	sne.s32 s13, $0xC00  }
.Ltmp5:
0x43: {  	s13 =	sadd.s32 $0x400, s13;
	(pc) =	sbr.rel @p1 .LBB2_7-.Ltmp5, $2  }
0x44: {  	_ =	sdelay $0x2  }
0x45: {  	s14 =	sadd.s32 $0x2000, s14;
	s15 =	sadd.s32 s15, s11  }
.Ltmp6:
0x46: {  	(pc) =	sbr.rel .LBB2_9-.Ltmp6, $2  }
0x47: {  	_ =	sdelay $0x2  }
0x48: {  	[hbm:s15] =	stream.linear.scatter [tilespmem:s12], [sflag:$0x3], $0x2000, $0x38;
	[tilespmem:$0x10040] =	vst v63  }
.LBB2_10:
0x49: {  	_ =	sfence.sel $0x180000  }
0x4a: {  	s2 =	simm.s32 $0x2;
	[bflag:$0x0] =	sbarrier.arrive $0xFFFF  }
0x4b: {  	s30 =	simm.s32 $0x3;
	[sflag:s2] =	ssyncpa.u1 $0x1  }
0x4c: {  	s31 =	simm.s32 $0x1;
	[sflag:s30] =	ssyncpa.u1 $0x1  }
0x4d: {  	[sflag:s31] =	ssyncpa.u1 $0x1  }
0x4e: {  	p0 =	sne.s32 s1, $0x0;
	_ =	strace $0x9000004A  }
0x4f: {  	s0 =	sadd.s32 @!p0 $0x100000, s0;
	[bflag:$0x2] =	sbarrier.arrive $0xFFFF  }
0x50: {  	[sflag:s0] =	ssyncadd.tile.s32 @!p0 $0x1;
	_ =	shalt  }
.Lfunc_end2:
_tile_overlayer_lowered:
.L_overlay_start_2:
0x51: {  	(tag) =	ssettag $0x2  }
0x52: {  	s0 =	rddreg [dreg:$0x0];
	s2 =	stileid.u32  }
0x53: {  	s1 =	rddreg [dreg:$0x1];
	p0 =	sne.s32 s2, $0x0  }
0x54: {  	s3 =	rddreg [dreg:$0x2];
	[bflag:$0x3] =	sbarrier.arrive $0xFFFF;
	s2 =	simm.s32 @!p0 $0x1C01  }
0x55: {  	[timem:s3], [sflag:s2] =	dma.local @!p0 [hbm:s0], s1  }
0x56: {  	s0 =	simm.s32 @!p0 $0x1  }
0x57: {  	_ =	swait.ge @!p0 [sflag:s0], s1  }
0x58: {  	s1 =	ssub.s32 @!p0 $0x0, s1;
	[sflag:s0] =	ssyncset.done @!p0 $0x0  }
0x59: {  	[sflag:s0] =	ssyncadd.s32 @!p0 s1  }
0x5a: {  	[bflag:$0x3] =	sbarrier.arrive $0xFFFF  }
0x5b: {  	_ =	shalt  }

// kernel: kernel.6.cloned.1.call-start
scs
__scs_entry_jumppad:
0x0: {  	(pc) =	sbr.rel $0x88, $3  }
0x1: {  	(tag) =	ssettag $0x0;
	lr =	simm.s32 $0x1  }
0x2: {  	[smem:$0x3F97] =	sst lr;
	_ =	strace $0xD0000000  }
0x3: {  	_ = 	snop  }
0x4: {  	_ = 	snop  }
0x5: {  	_ = 	snop  }
0x6: {  	_ = 	snop  }
0x7: {  	_ = 	snop  }
__scs_overlays_trampoline_lowered:
0x8: {  	[smem:$0x3FA6] =	sst s0  }
0x9: {  	[smem:$0x3FA7] =	sst s1  }
0xa: {  	[smem:$0x3FA8] =	sst s2  }
0xb: {  	[smem:$0x3FA9] =	sst s3  }
0xc: {  	[smem:$0x3FAA] =	sst s4  }
0xd: {  	[smem:$0x3FAB] =	sst s5  }
0xe: {  	[smem:$0x3FAC] =	sst s6  }
0xf: {  	[smem:$0x3FAD] =	sst s7  }
0x10: {  	[smem:$0x3FAE] =	sst s8  }
0x11: {  	[smem:$0x3FAF] =	sst s9;
	s0 =	simm.s32 @!p0 $0x0  }
0x12: {  	s1 =	sld [smem:$0x3F95];
	s0 =	simm.s32 @p0 $0x1  }
0x13: {  	[smem:$0x3FB0] =	sst s0;
	s0 =	simm.s32 @!p1 $0x0  }
0x14: {  	s2 =	sld [smem:$0x3F94];
	s0 =	simm.s32 @p1 $0x1  }
0x15: {  	[smem:$0x3FB1] =	sst s0;
	s0 =	simm.s32 @!p2 $0x0  }
0x16: {  	s3 =	sld [smem:$0x3FDB];
	s0 =	simm.s32 @p2 $0x1  }
0x17: {  	s4 =	simm.s32 $0x1BF5;
	[smem:$0x3FB3] =	sst s0  }
0x18: {  	s0 =	sld [smem:$0x3F96];
	_ =	swait.ge [sflag:s4], $0x0  }
0x19: {  	s7 =	sld [smem:$0x3F97]  }
0x1a: {  	s8 =	sadd.s32 $0xFFFFE003, lr  }
0x1b: {  	s9 =	sadd.s32 $0xFFFFFEF7, lr;
	s5 =	simm.s32 $0xFFFFFFFF;
	p2 =	slt.u32 s8, $0xFFFFF086  }
0x1c: {  	p1 =	slt.u32 s9, $0xF7A;
	s5 =	simm.s32 @!p2 $0x0  }
0x1d: {  	s5 =	simm.s32 @p1 $0x1;
	p0 =	seq.s32 s7, s2  }
0x1e: {  	s7 =	smul.u32 @!p0 $0xF7A, s2;
	p2 =	seq.s32 @!p0 s5, $0x0  }
0x1f: {  	s9 =	smul.u32 $0xF7A, s1;
	s8 =	simm.s32 @!p0 $0x1BF5;
	p2 =	por !p2, p0  }
0x20: {  	[sflag:s8] =	ssyncset.s32 @!p0 $0xFFFFF086;
	s6 =	sadd.s32 @!p0 s3, s7;
	s7 =	simm.s32 @!p0 $0x108  }
0x21: {  	s3 =	sadd.s32 s3, s9;
	s6 =	sadd.s32 @!p0 $0x88, s6;
	s7 =	simm.s32 @p2 $0x1082  }
0x22: {  	[simem:s7], [sflag:s8] =	dma.local @!p0 [hbm:s6], $0xF7A  }
0x23: {  	s9 =	sor.u32 $0xD0000000, s2;
	s6 =	simm.s32 $0x108;
	_ =	swait.ge @!p0 [sflag:s8], $0x0  }
0x24: {  	s3 =	sadd.s32 $0x88, s3;
	s6 =	simm.s32 @!p1 $0x1082;
	[sflag:s4] =	ssyncset.s32 $0xFFFFF086  }
0x25: {  	[simem:s6], [sflag:s4] =	dma.local [hbm:s3], $0xF7A  }
0x26: {  	[smem:$0x3F97] =	sst s1;
	(tag) =	ssettag s2;
	_ =	strace s9  }
0x27: {  	s1 =	sld [smem:$0x3FA7]  }
0x28: {  	s2 =	sld [smem:$0x3FA8]  }
0x29: {  	s4 =	sld [smem:$0x3FAA]  }
0x2a: {  	p0 =	seq.s32 s5, $0x0;
	s5 =	sld [smem:$0x3FAB]  }
0x2b: {  	s6 =	sld [smem:$0x3FAC]  }
0x2c: {  	s7 =	sld [smem:$0x3FAD]  }
0x2d: {  	s3 =	simm.s32 $0x108;
	s8 =	sld [smem:$0x3FAE]  }
0x2e: {  	s3 =	simm.s32 @!p0 $0x1082;
	s9 =	sld [smem:$0x3FAF]  }
0x2f: {  	lr =	sadd.s32 s0, s3;
	s0 =	sld [smem:$0x3FA6]  }
0x30: {  	s3 =	sld [smem:$0x3FA9]  }
0x31: {  	[smem:$0x3FB2] =	sst s10  }
0x32: {  	s10 =	sld [smem:$0x3FB0];
	_ =	sdelay $0x3  }
0x33: {  	p0 =	seq.s32 s10, $0x1;
	s10 =	sld [smem:$0x3FB2];
	_ =	sdelay $0x3  }
0x34: {  	[smem:$0x3FB2] =	sst s10  }
0x35: {  	s10 =	sld [smem:$0x3FB1];
	_ =	sdelay $0x3  }
0x36: {  	p1 =	seq.s32 s10, $0x1;
	s10 =	sld [smem:$0x3FB2];
	_ =	sdelay $0x3  }
0x37: {  	[smem:$0x3FB2] =	sst s10  }
0x38: {  	s10 =	sld [smem:$0x3FB3]  }
0x39: {  	_ = 	snop;
	(pc) =	sbr.ind lr, $3  }
0x3a: {  	_ = 	snop  }
0x3b: {  	_ = 	snop  }
0x3c: {  	p2 =	seq.s32 s10, $0x1;
	s10 =	sld [smem:$0x3FB2]  }
0x3d: {  	_ =	shalt  }
0x3e: {  	_ =	shalt  }
0x3f: {  	_ =	shalt  }
0x40: {  	_ =	shalt  }
0x41: {  	_ =	shalt  }
0x42: {  	_ =	shalt  }
0x43: {  	_ =	shalt  }
0x44: {  	_ =	shalt  }
0x45: {  	_ =	shalt  }
0x46: {  	_ =	shalt  }
0x47: {  	_ =	shalt  }
0x48: {  	_ =	shalt  }
0x49: {  	_ =	shalt  }
0x4a: {  	_ =	shalt  }
0x4b: {  	_ =	shalt  }
0x4c: {  	_ =	shalt  }
0x4d: {  	_ =	shalt  }
0x4e: {  	_ =	shalt  }
0x4f: {  	_ =	shalt  }
0x50: {  	_ =	shalt  }
0x51: {  	_ =	shalt  }
0x52: {  	_ =	shalt  }
0x53: {  	_ =	shalt  }
0x54: {  	_ =	shalt  }
0x55: {  	_ =	shalt  }
0x56: {  	_ =	shalt  }
0x57: {  	_ =	shalt  }
0x58: {  	_ =	shalt  }
0x59: {  	_ =	shalt  }
0x5a: {  	_ =	shalt  }
0x5b: {  	_ =	shalt  }
0x5c: {  	_ =	shalt  }
0x5d: {  	_ =	shalt  }
0x5e: {  	_ =	shalt  }
0x5f: {  	_ =	shalt  }
0x60: {  	_ =	shalt  }
0x61: {  	_ =	shalt  }
0x62: {  	_ =	shalt  }
0x63: {  	_ =	shalt  }
0x64: {  	_ =	shalt  }
0x65: {  	_ =	shalt  }
0x66: {  	_ =	shalt  }
0x67: {  	_ =	shalt  }
0x68: {  	_ =	shalt  }
0x69: {  	_ =	shalt  }
0x6a: {  	_ =	shalt  }
0x6b: {  	_ =	shalt  }
0x6c: {  	_ =	shalt  }
0x6d: {  	_ =	shalt  }
0x6e: {  	_ =	shalt  }
0x6f: {  	_ =	shalt  }
0x70: {  	_ =	shalt  }
0x71: {  	_ =	shalt  }
0x72: {  	_ =	shalt  }
0x73: {  	_ =	shalt  }
0x74: {  	_ =	shalt  }
0x75: {  	_ =	shalt  }
0x76: {  	_ =	shalt  }
0x77: {  	_ =	shalt  }
0x78: {  	_ =	shalt  }
0x79: {  	_ =	shalt  }
0x7a: {  	_ =	shalt  }
0x7b: {  	_ =	shalt  }
0x7c: {  	_ =	shalt  }
0x7d: {  	_ =	shalt  }
0x7e: {  	_ =	shalt  }
0x7f: {  	_ =	shalt  }
0x80: {  	_ =	shalt  }
0x81: {  	_ =	shalt  }
0x82: {  	_ =	shalt  }
0x83: {  	_ =	shalt  }
0x84: {  	_ =	shalt  }
0x85: {  	_ =	shalt  }
0x86: {  	_ =	shalt  }
0x87: {  	_ =	shalt  }
.Lfunc_end0:
.L_simem_size_0:
called_computation.1_lowered:
.L_overlay_start_0:
0x88: {  	s2 =	sld [smem:$0x3FD9]  }
0x89: {  	s3 =	sld [smem:$0x3FFE];
	_ =	sdelay $0x1  }
0x8a: {  	s1 =	srdreg.scid  }
0x8b: {  	s0 =	sand.u32 $0x1, s1  }
0x8c: {  	s16 =	sshll.u32 s0, $0xA;
	s2 =	sadd.s32 s3, s2  }
0x8d: {  	s2 =	sadd.s32 s2, s16  }
0x8e: {  	[smem:$0x3FBE] =	sst s2  }
0x8f: {  	_ = 	snop  }
0x90: {  	(tm) =	ssettm $0x1  }
0x91: {  	s17 =	sld [smem:$0x3FFB];
	_ =	sdelay $0x3  }
0x92: {  	_ =	strace s17  }
0x93: {  	s2 =	sld [smem:$0x3FFC];
	_ =	sdelay $0x3  }
0x94: {  	_ =	strace s2  }
0x95: {  	s2 =	sld [smem:$0x3FFD];
	_ =	sdelay $0x3  }
0x96: {  	_ =	strace s2  }
0x97: {  	_ =	strace $0x8FFFFFFF  }
0x98: {  	s18 =	sld [smem:$0x3FDB];
	_ =	sdelay $0x1  }
0x99: {  	s19 =	simm.s32 $_scs_section_size  }
0x9a: {  	s4 =	simm.s32 $_size__tile_overlayer_lowered;
	s5 =	simm.s32 $_tile_overlayer_lowered  }
0x9b: {  	s22 =	simm.s32 $0x1BFF;
	s21 =	sshll.u32 s5, $0x1;
	s2 =	sadd.s32 s19, s18  }
0x9c: {  	s6 =	simm.s32 $0x0;
	s20 =	sshll.u32 s4, $0x1;
	s4 =	sadd.s32 s21, s2  }
0x9d: {  	[timem:s6], [sflag:s22] =	dma.local [hbm:s4], s20  }
0x9e: {  	_ =	swait.ge [sflag:s22], s20  }
0x9f: {  	s3 =	ssub.s32 $0x0, s20;
	[sflag:s22] =	ssyncset.done $0x0  }
0xa0: {  	[sflag:s22] =	ssyncadd.s32 s3;
	_ =	sdelay $0x1  }
0xa1: {  	s23 =	simm.s32 $0x1B8B  }
0xa2: {  	_ =	swait.ge [sflag:s23], $0x1  }
0xa3: {  	[sflag:s23] =	ssyncset.done $0x0  }
0xa4: {  	s25 =	simm.s32 $0x1B8E;
	s24 =	sld [smem:$0x3FFE];
	[sflag:s23] =	ssyncadd.s32 $0xFFFFFFFF  }
0xa5: {  	s26 =	simm.s32 $execute0_lowered;
	[smem:$0x3FD2] =	sst s25  }
0xa6: {  	s4 =	sshll.u32 s26, $0x1;
	_ =	strace $0x80000046;
	[dreg:$0x1] =	wrdreg $0xFFFFFFFF  }
0xa7: {  	s28 =	simm.s32 $_size_execute0_lowered;
	s2 =	sadd.s32 s2, s4;
	[dreg:$0x0] =	wrdreg $0x0  }
0xa8: {  	s4 =	sshll.u32 s28, $0x1;
	[dreg:$0x2] =	wrdreg s2  }
0xa9: {  	[dreg:$0x3] =	wrdreg s4  }
0xaa: {  	[dreg:$0x4] =	wrdreg $0xC0  }
0xab: {  	_ =	task [dreg:s6], $0x5FFFF  }
0xac: {  	[dreg:$0x1] =	wrdreg $0xFFFFFFFF  }
0xad: {  	[dreg:$0x0] =	wrdreg $0x60  }
0xae: {  	[dreg:$0x2] =	wrdreg s24  }
0xaf: {  	[dreg:$0x3] =	wrdreg $0xA  }
0xb0: {  	_ =	task.clear_ibuf [dreg:s6], $0x4FFFF;
	_ =	strace $0x90000046  }
0xb1: {  	s29 =	simm.s32 $0xA;
	_ =	strace $0x80000048  }
0xb2: {  	_ =	swait.ge [sflag:s29], $0x1  }
0xb3: {  	[sflag:s29] =	ssyncadd.s32 $0xFFFFFFFF  }
0xb4: {  	_ =	strace $0x90000048  }
0xb5: {  	_ =	sfence  }
0xb6: {  	s30 =	sld [smem:$0x0];
	_ =	sdelay $0x2  }
0xb7: {  	s31 =	sshll.u32 s1, $0xD;
	s1 =	sshrl.u32 s1, $0x2  }
0xb8: {  	s3 =	sand.u32 $0x4000, s31;
	s1 =	sadd.s32 s1, s30  }
0xb9: {  	s0 =	sor.u32 s3, s0;
	s1 =	sshll.u32 s1, $0x11  }
0xba: {  	s0 =	sor.u32 s1, s0  }
0xbb: {  	s0 =	sadd.s32 $0x8F2B, s0  }
0xbc: {  	[sflag:s0] =	ssyncadd.remote.s32 $0x1  }
0xbd: {  	_ =	sfence.sel $0xFFFF  }
0xbe: {  	[dreg:$0x0] =	wrdreg $0xFFFFFFFF;
	(pc) =	sbr.abs _section_cstart, $3  }
0xbf: {  	[dreg:$0x1] =	wrdreg $0xFFFFFFFF  }
0xc0: {  	_ =	task.clear_ibuf [dreg:s6], $0x2FFFF;
	_ =	strace $0x9FFFFFFF  }
0xc1: {  	(tm) =	ssettm $0x7FFFFFFF  }
tec
execute0_lowered:
.L_overlay_start_1:
0x0: {  	(tag) =	ssettag $0x1  }
0x1: {  	s1 =	srdreg.scid;
	s0 =	stileid.u32  }
0x2: {  	s6 =	sand.u32 $0x1, s1;
	s30 =	sshll.u32 s0, $0x1  }
0x3: {  	s8 =	rddreg [dreg:$0x0];
	s7 =	sor.u32 s6, s30  }
0x4: {  	s2 =	simm.s32 $0x0;
	s1 =	rddreg [dreg:$0x1];
	s3 =	smul.u32 $0x280, s7  }
0x5: {  	[smem:$0x7FF] =	sst s2;
	s5 =	sadd.s32 $0x8C00, s8  }
0x6: {  	_ =	strace $0x80000047;
	s10 =	ssub.s32 $0x2, s6;
	s3 =	sadd.s32 s3, s8  }
0x7: {  	s6 =	simm.s32 $0x1400;
	s4 =	sadd.s32 $0x3C00, s3;
	s3 =	simm.s32 $0x2  }
0x8: {  	[tilespmem:s2], [sflag:$0x2] =	stream.linear.gather [hbm4b:s4+s2], $0x1400, $0x38;
	[tilespmem:$0x15400] =	vst v63  }
0x9: {  	s9 =	smul.u32 $0x2800, s7;
	s11 =	sshrl.u32 s10, $0x1;
	_ =	swait.ge [sflag:s3], $0x1400  }
0xa: {  	s7 =	simm.s32 $0x1;
	s31 =	ssub.s32 s10, s11;
	[sflag:s3] =	ssyncset.done $0x0  }
0xb: {  	s8 =	sadd.s32 s9, s8;
	s9 =	smax.u32 s31, $0x1;
	[sflag:s3] =	ssyncadd.s32 $0xFFFFEC00  }
0xc: {  	[tilespmem:s6], [sflag:$0x1] =	stream.indirect.gather [hbm4b:s5+s6], $0x10, s2, s6, $0xb8;
	[tilespmem:$0x15400] =	vst v63  }
0xd: {  	p0 =	sne.s32 s9, $0x1;
	_ =	swait.ge [sflag:s7], $0x14000  }
.Ltmp0:
0xe: {  	[sflag:s7] =	ssyncset.done $0x0;
	(pc) =	sbr.rel @!p0 .LBB2_2-.Ltmp0, $4  }
0xf: {  	s8 =	sadd.s32 $0xCC00, s8;
	[sflag:s7] =	ssyncadd.s32 $0xFFFEC000  }
0x10: {  	[hbm4b:s8+s2] =	stream.linear.scatter [tilespmem:s6], [sflag:$0x2], $0x14000, $0x38;
	[tilespmem:$0x15400] =	vst v63  }
0x11: {  	_ =	swait.ge [sflag:s3], $0x14000  }
0x12: {  	s9 =	sadd.s32 $0xFFFFFFFF, s9;
	[sflag:s3] =	ssyncset.done $0x0  }
.LBB2_1:
0x13: {  	p0 =	sne.s32 s9, $0x1;
	s9 =	sadd.s32 $0xFFFFFFFF, s9;
	[sflag:s3] =	ssyncadd.s32 $0xFFFEC000  }
0x14: {  	[tilespmem:s2], [sflag:$0x2] =	stream.linear.gather [hbm4b:s4+s2], $0x1400, $0x38;
	[tilespmem:$0x15400] =	vst v63  }
0x15: {  	_ =	swait.ge [sflag:s3], $0x1400  }
0x16: {  	[sflag:s3] =	ssyncset.done $0x0  }
0x17: {  	[sflag:s3] =	ssyncadd.s32 $0xFFFFEC00  }
0x18: {  	[tilespmem:s6], [sflag:$0x1] =	stream.indirect.gather [hbm4b:s5+s6], $0x10, s2, s6, $0xb8;
	[tilespmem:$0x15400] =	vst v63  }
0x19: {  	_ =	swait.ge [sflag:s7], $0x14000  }
.Ltmp1:
0x1a: {  	[sflag:s7] =	ssyncset.done $0x0;
	(pc) =	sbr.rel @p0 .LBB2_1-.Ltmp1, $4  }
0x1b: {  	[sflag:s7] =	ssyncadd.s32 $0xFFFEC000  }
0x1c: {  	[hbm4b:s8+s2] =	stream.linear.scatter [tilespmem:s6], [sflag:$0x2], $0x14000, $0x38;
	[tilespmem:$0x15400] =	vst v63  }
0x1d: {  	_ =	swait.ge [sflag:s3], $0x14000  }
0x1e: {  	[sflag:s3] =	ssyncset.done $0x0  }
.LBB2_2:
0x1f: {  	[sflag:s3] =	ssyncadd.s32 $0xFFFEC000  }
0x20: {  	_ =	sfence.sel $0x180000  }
0x21: {  	[bflag:$0x0] =	sbarrier.arrive $0xFFFF  }
0x22: {  	p0 =	sne.s32 s0, $0x0;
	_ =	strace $0x90000047  }
0x23: {  	s0 =	sadd.s32 @!p0 $0x100000, s1;
	[bflag:$0x2] =	sbarrier.arrive $0xFFFF  }
0x24: {  	[sflag:s0] =	ssyncadd.tile.s32 @!p0 $0x1;
	_ =	shalt  }
.Lfunc_end2:
_tile_overlayer_lowered:
.L_overlay_start_2:
0x25: {  	(tag) =	ssettag $0x2  }
0x26: {  	s0 =	rddreg [dreg:$0x0];
	s2 =	stileid.u32  }
0x27: {  	s1 =	rddreg [dreg:$0x1];
	p0 =	sne.s32 s2, $0x0  }
0x28: {  	s3 =	rddreg [dreg:$0x2];
	[bflag:$0x3] =	sbarrier.arrive $0xFFFF;
	s2 =	simm.s32 @!p0 $0x1C02  }
0x29: {  	[timem:s3], [sflag:s2] =	dma.local @!p0 [hbm:s0], s1  }
0x2a: {  	s0 =	simm.s32 @!p0 $0x2  }
0x2b: {  	_ =	swait.ge @!p0 [sflag:s0], s1  }
0x2c: {  	s1 =	ssub.s32 @!p0 $0x0, s1;
	[sflag:s0] =	ssyncset.done @!p0 $0x0  }
0x2d: {  	[sflag:s0] =	ssyncadd.s32 @!p0 s1  }
0x2e: {  	[bflag:$0x3] =	sbarrier.arrive $0xFFFF  }
0x2f: {  	_ =	shalt  }

</sc_bundles>
